<compile_context>
chip_gen: v7x
topology: tpu7x:2x2x1
jax: 0.10.2.dev20260603
libtpu: 0.0.44.dev20260713+nightly
codegen_flags: <defaults>
</compile_context>

<pallas_src>
import jax
import jax.numpy as jnp
from jax import lax
from jax.experimental import pallas as pl
from jax.experimental.pallas import tpu as pltpu
from jax.experimental.pallas import tpu_sc as plsc

N = 8192
D = 64

S = 2048
NP = N // 4
NW = 32
RPW = S // NW
CH = 8
NCH = RPW // CH

BM = 256
NQ = N // 4
BMP = 256


def _sc_pack_kernel(adj_hbm, out_hbm, inb, outb):
    c = lax.axis_index("c")
    s = lax.axis_index("s")
    wid = s * 2 + c
    base = wid * RPW

    def chunk(ci, carry):
        r0 = base + ci * CH
        pltpu.sync_copy(adj_hbm.at[pl.ds((N - S) + r0, CH), :], inb)

        def word(m, carry2):
            r = m // (NP // 16)
            col = (m % (NP // 16)) * 16
            w = inb[r, pl.ds(col, 16)]
            w = w | (inb[r, pl.ds(NP + col, 16)] << 8)
            w = w | (inb[r, pl.ds(2 * NP + col, 16)] << 16)
            w = w | (inb[r, pl.ds(3 * NP + col, 16)] << 24)
            outb[r, pl.ds(col, 16)] = w
            return carry2

        lax.fori_loop(0, CH * (NP // 16), word, 0, unroll=8)
        pltpu.sync_copy(outb, out_hbm.at[pl.ds(r0, CH), :])
        return carry

    lax.fori_loop(0, NCH, chunk, 0)


def _make_sc_pack():
    return pl.kernel(
        _sc_pack_kernel,
        out_type=jax.ShapeDtypeStruct((S, NP), jnp.int32),
        mesh=plsc.VectorSubcoreMesh(core_axis_name="c", subcore_axis_name="s"),
        scratch_types=[
            pltpu.VMEM((CH, N), jnp.int32),
            pltpu.VMEM((CH, NP), jnp.int32),
        ],
    )


def _tc_raw_kernel(a0, a1, a2, a3, xb_ref, xr_ref, o_ref):
    acc = jnp.dot(a0[...].astype(jnp.bfloat16), xb_ref[0 * NQ:1 * NQ, :],
                  preferred_element_type=jnp.float32)
    acc += jnp.dot(a1[...].astype(jnp.bfloat16), xb_ref[1 * NQ:2 * NQ, :],
                   preferred_element_type=jnp.float32)
    acc += jnp.dot(a2[...].astype(jnp.bfloat16), xb_ref[2 * NQ:3 * NQ, :],
                   preferred_element_type=jnp.float32)
    acc += jnp.dot(a3[...].astype(jnp.bfloat16), xb_ref[3 * NQ:4 * NQ, :],
                   preferred_element_type=jnp.float32)
    o_ref[...] = xr_ref[...] + acc


def _tc_packed_kernel(p_ref, xb_ref, xr_ref, o_ref):
    w = p_ref[...]
    acc = jnp.dot((w & 0xFF).astype(jnp.bfloat16), xb_ref[0 * NP:1 * NP, :],
                  preferred_element_type=jnp.float32)
    acc += jnp.dot(((w >> 8) & 0xFF).astype(jnp.bfloat16),
                   xb_ref[1 * NP:2 * NP, :],
                   preferred_element_type=jnp.float32)
    acc += jnp.dot(((w >> 16) & 0xFF).astype(jnp.bfloat16),
                   xb_ref[2 * NP:3 * NP, :],
                   preferred_element_type=jnp.float32)
    acc += jnp.dot(((w >> 24) & 0xFF).astype(jnp.bfloat16),
                   xb_ref[3 * NP:4 * NP, :],
                   preferred_element_type=jnp.float32)
    o_ref[...] = xr_ref[...] + acc


def kernel(x, adj):
    xb = x.astype(jnp.bfloat16)

    packed = _make_sc_pack()(adj)

    out_top = pl.pallas_call(
        _tc_raw_kernel,
        grid=((N - S) // BM,),
        in_specs=[
            pl.BlockSpec((BM, NQ), lambda i: (i, 0)),
            pl.BlockSpec((BM, NQ), lambda i: (i, 1)),
            pl.BlockSpec((BM, NQ), lambda i: (i, 2)),
            pl.BlockSpec((BM, NQ), lambda i: (i, 3)),
            pl.BlockSpec((N, D), lambda i: (0, 0)),
            pl.BlockSpec((BM, D), lambda i: (i, 0)),
        ],
        out_specs=pl.BlockSpec((BM, D), lambda i: (i, 0)),
        out_shape=jax.ShapeDtypeStruct((N - S, D), jnp.float32),
        compiler_params=pltpu.CompilerParams(
            dimension_semantics=("arbitrary",),
        ),
    )(adj, adj, adj, adj, xb, x)

    out_bot = pl.pallas_call(
        _tc_packed_kernel,
        grid=(S // BMP,),
        in_specs=[
            pl.BlockSpec((BMP, NP), lambda i: (i, 0)),
            pl.BlockSpec((N, D), lambda i: (0, 0)),
            pl.BlockSpec((BMP, D), lambda i: (i + (N - S) // BMP, 0)),
        ],
        out_specs=pl.BlockSpec((BMP, D), lambda i: (i, 0)),
        out_shape=jax.ShapeDtypeStruct((S, D), jnp.float32),
        compiler_params=pltpu.CompilerParams(
            dimension_semantics=("arbitrary",),
        ),
    )(packed, xb, x)

    return jnp.concatenate([out_top, out_bot], axis=0)

# --- scband reference (transcript-rebuilt; emitter-appended) ---
"""Pipeline reference for scband-graph-pool-7971459301496 (READ-ONLY COPY).

The authoritative reference and input builder live on the scoring server;
editing this copy changes nothing except your own understanding.
"""

import jax, jax.numpy as jnp
import numpy as np

N = 8192
D = 64

def setup_inputs(seed: int = 0) -> dict:
    key = jax.random.key(seed)
    kx, ka = jax.random.split(key)
    x = jax.random.normal(kx, (N, D), dtype=jnp.float32)
    adj = jax.random.randint(ka, (N, N), 0, 2, dtype=jnp.int32)
    return {"x": x, "adj": adj}

def reference(x, adj):
    # Faithful translation of GraphPool._sum_neighbors:
    # out[i] = x[i] + sum_{j : adj[i, j] == 1} x[j]
    # which is exactly x + (adj == 1) @ x as a masked dense matmul.
    mask = (adj == 1).astype(x.dtype)
    out = x + mask @ x
    return out

if __name__ == "__main__":
    import jax
    _d = setup_inputs()
    print(jax.jit(kernel)(*tuple(_d.values())))

</pallas_src>

<mosaic_0001>
#map = affine_map<(d0, d1) -> (0, 0)>
module attributes {stable_mosaic.version = 14 : i64} {
  func.func @_sc_pack_kernel(%arg0: i32, %arg1: i32, %arg2: memref<8192x8192xi32, #tpu.memory_space<hbm>>, %arg3: memref<2048x2048xi32, #tpu.memory_space<hbm>>, %arg4: memref<8x8192xi32, #tpu.memory_space<vmem>>, %arg5: memref<8x2048xi32, #tpu.memory_space<vmem>>) attributes {dimension_semantics = [#tpu.dimension_semantics<core_parallel>, #tpu.dimension_semantics<subcore_parallel>], iteration_bounds = array<i64: 2, 16>, scalar_prefetch = 0 : i64, scratch_operands = 2 : i64, tpu.core_type = #tpu.core_type<sc_vector_subcore>, window_params = [{transform_indices = #map}, {transform_indices = #map}]} {
    %mul3A = arith.constant 2 : i32
    %mul3A_0 = arith.muli %arg1, %mul3A : i32
    %add3A = arith.addi %mul3A_0, %arg0 : i32
    %mul3A_1 = arith.constant 64 : i32
    %mul3A_2 = arith.muli %add3A, %mul3A_1 : i32
    %scan3A = arith.constant 0 : i32
    %scan3A_3 = arith.constant 0 : i32
    %scan3A_4 = arith.constant 8 : i32
    %scan3A_5 = arith.addi %scan3A_3, %scan3A_4 : i32
    %scan3A_6 = arith.constant 1 : i32
    scf.for %scan3A_8 = %scan3A_3 to %scan3A_5 step %scan3A_6  : i32 {
      %mul3A_9 = arith.constant 8 : i32
      %mul3A_10 = arith.muli %scan3A_8, %mul3A_9 : i32
      %add3A_11 = arith.addi %mul3A_2, %mul3A_10 : i32
      %add3A_12 = arith.constant 6144 : i32
      %add3A_13 = arith.addi %add3A_12, %add3A_11 : i32
      "tpu.region"() ({
        %run_scoped3A = tpu.sem_alloc : memref<!tpu.dma_semaphore, #tpu.memory_space<semaphore_mem>>
        %dma_start3A = arith.constant 0 : i32
        %dma_start3A_20 = tpu.memref_slice %arg2[%add3A_13, %dma_start3A] : memref<8192x8192xi32, #tpu.memory_space<hbm>> -> memref<8x8192xi32, #tpu.memory_space<hbm>>
        %dma_start3A_21 = arith.constant 0 : i32
        %dma_start3A_22 = tpu.memref_slice %arg2[%add3A_13, %dma_start3A_21] : memref<8192x8192xi32, #tpu.memory_space<hbm>> -> memref<8x8192xi32, #tpu.memory_space<hbm>>
        tpu.enqueue_dma source(%dma_start3A_22 : memref<8x8192xi32, #tpu.memory_space<hbm>>) target(%arg4 : memref<8x8192xi32, #tpu.memory_space<vmem>>) target_semaphore(%run_scoped3A : memref<!tpu.dma_semaphore, #tpu.memory_space<semaphore_mem>>)
        %dma_wait3A = arith.constant 0 : i32
        %dma_wait3A_23 = tpu.memref_slice %arg2[%add3A_13, %dma_wait3A] : memref<8192x8192xi32, #tpu.memory_space<hbm>> -> memref<8x8192xi32, #tpu.memory_space<hbm>>
        %dma_wait3A_24 = arith.constant 0 : i32
        %dma_wait3A_25 = tpu.memref_slice %arg2[%add3A_13, %dma_wait3A_24] : memref<8192x8192xi32, #tpu.memory_space<hbm>> -> memref<8x8192xi32, #tpu.memory_space<hbm>>
        tpu.wait_dma2 semaphore(%run_scoped3A : memref<!tpu.dma_semaphore, #tpu.memory_space<semaphore_mem>>) src(%dma_wait3A_25 : memref<8x8192xi32, #tpu.memory_space<hbm>>) dst(%arg4 : memref<8x8192xi32, #tpu.memory_space<vmem>>)
        tpu.yield
      }) : () -> ()
      %scan3A_14 = arith.constant 0 : i32
      %scan3A_15 = arith.constant 0 : i32
      %scan3A_16 = arith.constant 1024 : i32
      %scan3A_17 = arith.addi %scan3A_15, %scan3A_16 : i32
      %scan3A_18 = arith.constant 8 : i32
      scf.for %scan3A_20 = %scan3A_15 to %scan3A_17 step %scan3A_18  : i32 {
        %jit3A = arith.constant 128 : i32
        %div3A = arith.divsi %scan3A_20, %jit3A : i32
        %sign3A = arith.constant 0 : i32
        %sign3A_21 = arith.cmpi sgt, %scan3A_20, %sign3A : i32
        %sign3A_22 = arith.extui %sign3A_21 : i1 to i32
        %sign3A_23 = arith.constant 0 : i32
        %sign3A_24 = arith.cmpi slt, %scan3A_20, %sign3A_23 : i32
        %sign3A_25 = arith.extui %sign3A_24 : i1 to i32
        %sign3A_26 = arith.subi %sign3A_22, %sign3A_25 : i32
        %sign3A_27 = arith.constant 0 : i32
        %sign3A_28 = arith.cmpi sgt, %jit3A, %sign3A_27 : i32
        %sign3A_29 = arith.extui %sign3A_28 : i1 to i32
        %sign3A_30 = arith.constant 0 : i32
        %sign3A_31 = arith.cmpi slt, %jit3A, %sign3A_30 : i32
        %sign3A_32 = arith.extui %sign3A_31 : i1 to i32
        %sign3A_33 = arith.subi %sign3A_29, %sign3A_32 : i32
        %ne3A = arith.cmpi ne, %sign3A_26, %sign3A_33 : i32
        %rem3A = arith.remsi %scan3A_20, %jit3A : i32
        %ne3A_34 = arith.constant 0 : i32
        %ne3A_35 = arith.cmpi ne, %rem3A, %ne3A_34 : i32
        %and3A = arith.andi %ne3A, %ne3A_35 : i1
        %sub3A = arith.constant 1 : i32
        %sub3A_36 = arith.subi %div3A, %sub3A : i32
        %select_n3A = arith.select %and3A, %sub3A_36, %div3A : i32
        %jit3A_37 = arith.constant 128 : i32
        %eq3A = arith.constant 0 : i32
        %eq3A_38 = arith.cmpi eq, %jit3A_37, %eq3A : i32
        %jit3A_39 = arith.constant 1 : i32
        %select_n3A_40 = arith.select %eq3A_38, %jit3A_39, %jit3A_37 : i32
        %rem3A_41 = arith.remsi %scan3A_20, %select_n3A_40 : i32
        %ne3A_42 = arith.constant 0 : i32
        %ne3A_43 = arith.cmpi ne, %rem3A_41, %ne3A_42 : i32
        %lt3A = arith.constant 0 : i32
        %lt3A_44 = arith.cmpi slt, %rem3A_41, %lt3A : i32
        %lt3A_45 = arith.constant 0 : i32
        %lt3A_46 = arith.cmpi slt, %select_n3A_40, %lt3A_45 : i32
        %ne3A_47 = arith.xori %lt3A_44, %lt3A_46 : i1
        %and3A_48 = arith.andi %ne3A_47, %ne3A_43 : i1
        %add3A_49 = arith.addi %rem3A_41, %select_n3A_40 : i32
        %select_n3A_50 = arith.select %and3A_48, %add3A_49, %rem3A_41 : i32
        %mul3A_51 = arith.constant 16 : i32
        %mul3A_52 = arith.muli %select_n3A_50, %mul3A_51 : i32
        %get3A = arith.index_cast %select_n3A : i32 to index
        %get3A_53 = arith.index_cast %mul3A_52 : i32 to index
        %get3A_54 = tpu.vector_load %arg4[%get3A, %get3A_53] {strides = array<i32>} : memref<8x8192xi32, #tpu.memory_space<vmem>>, vector<1x16xi32>,
        %get3A_55 = vector.shape_cast %get3A_54 : vector<1x16xi32> to vector<16xi32>
        %add3A_56 = arith.constant 2048 : i32
        %add3A_57 = arith.addi %add3A_56, %mul3A_52 : i32
        %get3A_58 = arith.index_cast %select_n3A : i32 to index
        %get3A_59 = arith.index_cast %add3A_57 : i32 to index
        %get3A_60 = tpu.vector_load %arg4[%get3A_58, %get3A_59] {strides = array<i32>} : memref<8x8192xi32, #tpu.memory_space<vmem>>, vector<1x16xi32>,
        %get3A_61 = vector.shape_cast %get3A_60 : vector<1x16xi32> to vector<16xi32>
        %shift_left3A = arith.constant 8 : i32
        %shift_left3A_62 = vector.broadcast %shift_left3A : i32 to vector<16xi32>
        %shift_left3A_63 = arith.shli %get3A_61, %shift_left3A_62 : vector<16xi32>
        %or3A = arith.ori %get3A_55, %shift_left3A_63 : vector<16xi32>
        %add3A_64 = arith.constant 4096 : i32
        %add3A_65 = arith.addi %add3A_64, %mul3A_52 : i32
        %get3A_66 = arith.index_cast %select_n3A : i32 to index
        %get3A_67 = arith.index_cast %add3A_65 : i32 to index
        %get3A_68 = tpu.vector_load %arg4[%get3A_66, %get3A_67] {strides = array<i32>} : memref<8x8192xi32, #tpu.memory_space<vmem>>, vector<1x16xi32>,
        %get3A_69 = vector.shape_cast %get3A_68 : vector<1x16xi32> to vector<16xi32>
        %shift_left3A_70 = arith.constant 16 : i32
        %shift_left3A_71 = vector.broadcast %shift_left3A_70 : i32 to vector<16xi32>
        %shift_left3A_72 = arith.shli %get3A_69, %shift_left3A_71 : vector<16xi32>
        %or3A_73 = arith.ori %or3A, %shift_left3A_72 : vector<16xi32>
        %add3A_74 = arith.constant 6144 : i32
        %add3A_75 = arith.addi %add3A_74, %mul3A_52 : i32
        %get3A_76 = arith.index_cast %select_n3A : i32 to index
        %get3A_77 = arith.index_cast %add3A_75 : i32 to index
        %get3A_78 = tpu.vector_load %arg4[%get3A_76, %get3A_77] {strides = array<i32>} : memref<8x8192xi32, #tpu.memory_space<vmem>>, vector<1x16xi32>,
        %get3A_79 = vector.shape_cast %get3A_78 : vector<1x16xi32> to vector<16xi32>
        %shift_left3A_80 = arith.constant 24 : i32
        %shift_left3A_81 = vector.broadcast %shift_left3A_80 : i32 to vector<16xi32>
        %shift_left3A_82 = arith.shli %get3A_79, %shift_left3A_81 : vector<16xi32>
        %or3A_83 = arith.ori %or3A_73, %shift_left3A_82 : vector<16xi32>
        %swap3A = arith.index_cast %select_n3A : i32 to index
        %swap3A_84 = arith.index_cast %mul3A_52 : i32 to index
        %swap3A_85 = tpu.vector_load %arg5[%swap3A, %swap3A_84] {strides = array<i32>} : memref<8x2048xi32, #tpu.memory_space<vmem>>, vector<1x16xi32>,
        %swap3A_86 = vector.shape_cast %swap3A_85 : vector<1x16xi32> to vector<16xi32>
        %swap3A_87 = vector.shape_cast %or3A_83 : vector<16xi32> to vector<1x16xi32>
        tpu.vector_store %arg5[%swap3A, %swap3A_84], %swap3A_87 {strides = array<i32>} : memref<8x2048xi32, #tpu.memory_space<vmem>>, vector<1x16xi32>,
        %scan3A_88 = arith.constant 1 : i32
        %scan3A_89 = arith.addi %scan3A_20, %scan3A_88 : i32
        %jit3A_90 = arith.constant 128 : i32
        %div3A_91 = arith.divsi %scan3A_89, %jit3A_90 : i32
        %sign3A_92 = arith.constant 0 : i32
        %sign3A_93 = arith.cmpi sgt, %scan3A_89, %sign3A_92 : i32
        %sign3A_94 = arith.extui %sign3A_93 : i1 to i32
        %sign3A_95 = arith.constant 0 : i32
        %sign3A_96 = arith.cmpi slt, %scan3A_89, %sign3A_95 : i32
        %sign3A_97 = arith.extui %sign3A_96 : i1 to i32
        %sign3A_98 = arith.subi %sign3A_94, %sign3A_97 : i32
        %sign3A_99 = arith.constant 0 : i32
        %sign3A_100 = arith.cmpi sgt, %jit3A_90, %sign3A_99 : i32
        %sign3A_101 = arith.extui %sign3A_100 : i1 to i32
        %sign3A_102 = arith.constant 0 : i32
        %sign3A_103 = arith.cmpi slt, %jit3A_90, %sign3A_102 : i32
        %sign3A_104 = arith.extui %sign3A_103 : i1 to i32
        %sign3A_105 = arith.subi %sign3A_101, %sign3A_104 : i32
        %ne3A_106 = arith.cmpi ne, %sign3A_98, %sign3A_105 : i32
        %rem3A_107 = arith.remsi %scan3A_89, %jit3A_90 : i32
        %ne3A_108 = arith.constant 0 : i32
        %ne3A_109 = arith.cmpi ne, %rem3A_107, %ne3A_108 : i32
        %and3A_110 = arith.andi %ne3A_106, %ne3A_109 : i1
        %sub3A_111 = arith.constant 1 : i32
        %sub3A_112 = arith.subi %div3A_91, %sub3A_111 : i32
        %select_n3A_113 = arith.select %and3A_110, %sub3A_112, %div3A_91 : i32
        %jit3A_114 = arith.constant 128 : i32
        %eq3A_115 = arith.constant 0 : i32
        %eq3A_116 = arith.cmpi eq, %jit3A_114, %eq3A_115 : i32
        %jit3A_117 = arith.constant 1 : i32
        %select_n3A_118 = arith.select %eq3A_116, %jit3A_117, %jit3A_114 : i32
        %rem3A_119 = arith.remsi %scan3A_89, %select_n3A_118 : i32
        %ne3A_120 = arith.constant 0 : i32
        %ne3A_121 = arith.cmpi ne, %rem3A_119, %ne3A_120 : i32
        %lt3A_122 = arith.constant 0 : i32
        %lt3A_123 = arith.cmpi slt, %rem3A_119, %lt3A_122 : i32
        %lt3A_124 = arith.constant 0 : i32
        %lt3A_125 = arith.cmpi slt, %select_n3A_118, %lt3A_124 : i32
        %ne3A_126 = arith.xori %lt3A_123, %lt3A_125 : i1
        %and3A_127 = arith.andi %ne3A_126, %ne3A_121 : i1
        %add3A_128 = arith.addi %rem3A_119, %select_n3A_118 : i32
        %select_n3A_129 = arith.select %and3A_127, %add3A_128, %rem3A_119 : i32
        %mul3A_130 = arith.constant 16 : i32
        %mul3A_131 = arith.muli %select_n3A_129, %mul3A_130 : i32
        %get3A_132 = arith.index_cast %select_n3A_113 : i32 to index
        %get3A_133 = arith.index_cast %mul3A_131 : i32 to index
        %get3A_134 = tpu.vector_load %arg4[%get3A_132, %get3A_133] {strides = array<i32>} : memref<8x8192xi32, #tpu.memory_space<vmem>>, vector<1x16xi32>,
        %get3A_135 = vector.shape_cast %get3A_134 : vector<1x16xi32> to vector<16xi32>
        %add3A_136 = arith.constant 2048 : i32
        %add3A_137 = arith.addi %add3A_136, %mul3A_131 : i32
        %get3A_138 = arith.index_cast %select_n3A_113 : i32 to index
        %get3A_139 = arith.index_cast %add3A_137 : i32 to index
        %get3A_140 = tpu.vector_load %arg4[%get3A_138, %get3A_139] {strides = array<i32>} : memref<8x8192xi32, #tpu.memory_space<vmem>>, vector<1x16xi32>,
        %get3A_141 = vector.shape_cast %get3A_140 : vector<1x16xi32> to vector<16xi32>
        %shift_left3A_142 = arith.constant 8 : i32
        %shift_left3A_143 = vector.broadcast %shift_left3A_142 : i32 to vector<16xi32>
        %shift_left3A_144 = arith.shli %get3A_141, %shift_left3A_143 : vector<16xi32>
        %or3A_145 = arith.ori %get3A_135, %shift_left3A_144 : vector<16xi32>
        %add3A_146 = arith.constant 4096 : i32
        %add3A_147 = arith.addi %add3A_146, %mul3A_131 : i32
        %get3A_148 = arith.index_cast %select_n3A_113 : i32 to index
        %get3A_149 = arith.index_cast %add3A_147 : i32 to index
        %get3A_150 = tpu.vector_load %arg4[%get3A_148, %get3A_149] {strides = array<i32>} : memref<8x8192xi32, #tpu.memory_space<vmem>>, vector<1x16xi32>,
        %get3A_151 = vector.shape_cast %get3A_150 : vector<1x16xi32> to vector<16xi32>
        %shift_left3A_152 = arith.constant 16 : i32
        %shift_left3A_153 = vector.broadcast %shift_left3A_152 : i32 to vector<16xi32>
        %shift_left3A_154 = arith.shli %get3A_151, %shift_left3A_153 : vector<16xi32>
        %or3A_155 = arith.ori %or3A_145, %shift_left3A_154 : vector<16xi32>
        %add3A_156 = arith.constant 6144 : i32
        %add3A_157 = arith.addi %add3A_156, %mul3A_131 : i32
        %get3A_158 = arith.index_cast %select_n3A_113 : i32 to index
        %get3A_159 = arith.index_cast %add3A_157 : i32 to index
        %get3A_160 = tpu.vector_load %arg4[%get3A_158, %get3A_159] {strides = array<i32>} : memref<8x8192xi32, #tpu.memory_space<vmem>>, vector<1x16xi32>,
        %get3A_161 = vector.shape_cast %get3A_160 : vector<1x16xi32> to vector<16xi32>
        %shift_left3A_162 = arith.constant 24 : i32
        %shift_left3A_163 = vector.broadcast %shift_left3A_162 : i32 to vector<16xi32>
        %shift_left3A_164 = arith.shli %get3A_161, %shift_left3A_163 : vector<16xi32>
        %or3A_165 = arith.ori %or3A_155, %shift_left3A_164 : vector<16xi32>
        %swap3A_166 = arith.index_cast %select_n3A_113 : i32 to index
        %swap3A_167 = arith.index_cast %mul3A_131 : i32 to index
        %swap3A_168 = tpu.vector_load %arg5[%swap3A_166, %swap3A_167] {strides = array<i32>} : memref<8x2048xi32, #tpu.memory_space<vmem>>, vector<1x16xi32>,
        %swap3A_169 = vector.shape_cast %swap3A_168 : vector<1x16xi32> to vector<16xi32>
        %swap3A_170 = vector.shape_cast %or3A_165 : vector<16xi32> to vector<1x16xi32>
        tpu.vector_store %arg5[%swap3A_166, %swap3A_167], %swap3A_170 {strides = array<i32>} : memref<8x2048xi32, #tpu.memory_space<vmem>>, vector<1x16xi32>,
        %scan3A_171 = arith.constant 2 : i32
        %scan3A_172 = arith.addi %scan3A_20, %scan3A_171 : i32
        %jit3A_173 = arith.constant 128 : i32
        %div3A_174 = arith.divsi %scan3A_172, %jit3A_173 : i32
        %sign3A_175 = arith.constant 0 : i32
        %sign3A_176 = arith.cmpi sgt, %scan3A_172, %sign3A_175 : i32
        %sign3A_177 = arith.extui %sign3A_176 : i1 to i32
        %sign3A_178 = arith.constant 0 : i32
        %sign3A_179 = arith.cmpi slt, %scan3A_172, %sign3A_178 : i32
        %sign3A_180 = arith.extui %sign3A_179 : i1 to i32
        %sign3A_181 = arith.subi %sign3A_177, %sign3A_180 : i32
        %sign3A_182 = arith.constant 0 : i32
        %sign3A_183 = arith.cmpi sgt, %jit3A_173, %sign3A_182 : i32
        %sign3A_184 = arith.extui %sign3A_183 : i1 to i32
        %sign3A_185 = arith.constant 0 : i32
        %sign3A_186 = arith.cmpi slt, %jit3A_173, %sign3A_185 : i32
        %sign3A_187 = arith.extui %sign3A_186 : i1 to i32
        %sign3A_188 = arith.subi %sign3A_184, %sign3A_187 : i32
        %ne3A_189 = arith.cmpi ne, %sign3A_181, %sign3A_188 : i32
        %rem3A_190 = arith.remsi %scan3A_172, %jit3A_173 : i32
        %ne3A_191 = arith.constant 0 : i32
        %ne3A_192 = arith.cmpi ne, %rem3A_190, %ne3A_191 : i32
        %and3A_193 = arith.andi %ne3A_189, %ne3A_192 : i1
        %sub3A_194 = arith.constant 1 : i32
        %sub3A_195 = arith.subi %div3A_174, %sub3A_194 : i32
        %select_n3A_196 = arith.select %and3A_193, %sub3A_195, %div3A_174 : i32
        %jit3A_197 = arith.constant 128 : i32
        %eq3A_198 = arith.constant 0 : i32
        %eq3A_199 = arith.cmpi eq, %jit3A_197, %eq3A_198 : i32
        %jit3A_200 = arith.constant 1 : i32
        %select_n3A_201 = arith.select %eq3A_199, %jit3A_200, %jit3A_197 : i32
        %rem3A_202 = arith.remsi %scan3A_172, %select_n3A_201 : i32
        %ne3A_203 = arith.constant 0 : i32
        %ne3A_204 = arith.cmpi ne, %rem3A_202, %ne3A_203 : i32
        %lt3A_205 = arith.constant 0 : i32
        %lt3A_206 = arith.cmpi slt, %rem3A_202, %lt3A_205 : i32
        %lt3A_207 = arith.constant 0 : i32
        %lt3A_208 = arith.cmpi slt, %select_n3A_201, %lt3A_207 : i32
        %ne3A_209 = arith.xori %lt3A_206, %lt3A_208 : i1
        %and3A_210 = arith.andi %ne3A_209, %ne3A_204 : i1
        %add3A_211 = arith.addi %rem3A_202, %select_n3A_201 : i32
        %select_n3A_212 = arith.select %and3A_210, %add3A_211, %rem3A_202 : i32
        %mul3A_213 = arith.constant 16 : i32
        %mul3A_214 = arith.muli %select_n3A_212, %mul3A_213 : i32
        %get3A_215 = arith.index_cast %select_n3A_196 : i32 to index
        %get3A_216 = arith.index_cast %mul3A_214 : i32 to index
        %get3A_217 = tpu.vector_load %arg4[%get3A_215, %get3A_216] {strides = array<i32>} : memref<8x8192xi32, #tpu.memory_space<vmem>>, vector<1x16xi32>,
        %get3A_218 = vector.shape_cast %get3A_217 : vector<1x16xi32> to vector<16xi32>
        %add3A_219 = arith.constant 2048 : i32
        %add3A_220 = arith.addi %add3A_219, %mul3A_214 : i32
        %get3A_221 = arith.index_cast %select_n3A_196 : i32 to index
        %get3A_222 = arith.index_cast %add3A_220 : i32 to index
        %get3A_223 = tpu.vector_load %arg4[%get3A_221, %get3A_222] {strides = array<i32>} : memref<8x8192xi32, #tpu.memory_space<vmem>>, vector<1x16xi32>,
        %get3A_224 = vector.shape_cast %get3A_223 : vector<1x16xi32> to vector<16xi32>
        %shift_left3A_225 = arith.constant 8 : i32
        %shift_left3A_226 = vector.broadcast %shift_left3A_225 : i32 to vector<16xi32>
        %shift_left3A_227 = arith.shli %get3A_224, %shift_left3A_226 : vector<16xi32>
        %or3A_228 = arith.ori %get3A_218, %shift_left3A_227 : vector<16xi32>
        %add3A_229 = arith.constant 4096 : i32
        %add3A_230 = arith.addi %add3A_229, %mul3A_214 : i32
        %get3A_231 = arith.index_cast %select_n3A_196 : i32 to index
        %get3A_232 = arith.index_cast %add3A_230 : i32 to index
        %get3A_233 = tpu.vector_load %arg4[%get3A_231, %get3A_232] {strides = array<i32>} : memref<8x8192xi32, #tpu.memory_space<vmem>>, vector<1x16xi32>,
        %get3A_234 = vector.shape_cast %get3A_233 : vector<1x16xi32> to vector<16xi32>
        %shift_left3A_235 = arith.constant 16 : i32
        %shift_left3A_236 = vector.broadcast %shift_left3A_235 : i32 to vector<16xi32>
        %shift_left3A_237 = arith.shli %get3A_234, %shift_left3A_236 : vector<16xi32>
        %or3A_238 = arith.ori %or3A_228, %shift_left3A_237 : vector<16xi32>
        %add3A_239 = arith.constant 6144 : i32
        %add3A_240 = arith.addi %add3A_239, %mul3A_214 : i32
        %get3A_241 = arith.index_cast %select_n3A_196 : i32 to index
        %get3A_242 = arith.index_cast %add3A_240 : i32 to index
        %get3A_243 = tpu.vector_load %arg4[%get3A_241, %get3A_242] {strides = array<i32>} : memref<8x8192xi32, #tpu.memory_space<vmem>>, vector<1x16xi32>,
        %get3A_244 = vector.shape_cast %get3A_243 : vector<1x16xi32> to vector<16xi32>
        %shift_left3A_245 = arith.constant 24 : i32
        %shift_left3A_246 = vector.broadcast %shift_left3A_245 : i32 to vector<16xi32>
        %shift_left3A_247 = arith.shli %get3A_244, %shift_left3A_246 : vector<16xi32>
        %or3A_248 = arith.ori %or3A_238, %shift_left3A_247 : vector<16xi32>
        %swap3A_249 = arith.index_cast %select_n3A_196 : i32 to index
        %swap3A_250 = arith.index_cast %mul3A_214 : i32 to index
        %swap3A_251 = tpu.vector_load %arg5[%swap3A_249, %swap3A_250] {strides = array<i32>} : memref<8x2048xi32, #tpu.memory_space<vmem>>, vector<1x16xi32>,
        %swap3A_252 = vector.shape_cast %swap3A_251 : vector<1x16xi32> to vector<16xi32>
        %swap3A_253 = vector.shape_cast %or3A_248 : vector<16xi32> to vector<1x16xi32>
        tpu.vector_store %arg5[%swap3A_249, %swap3A_250], %swap3A_253 {strides = array<i32>} : memref<8x2048xi32, #tpu.memory_space<vmem>>, vector<1x16xi32>,
        %scan3A_254 = arith.constant 3 : i32
        %scan3A_255 = arith.addi %scan3A_20, %scan3A_254 : i32
        %jit3A_256 = arith.constant 128 : i32
        %div3A_257 = arith.divsi %scan3A_255, %jit3A_256 : i32
        %sign3A_258 = arith.constant 0 : i32
        %sign3A_259 = arith.cmpi sgt, %scan3A_255, %sign3A_258 : i32
        %sign3A_260 = arith.extui %sign3A_259 : i1 to i32
        %sign3A_261 = arith.constant 0 : i32
        %sign3A_262 = arith.cmpi slt, %scan3A_255, %sign3A_261 : i32
        %sign3A_263 = arith.extui %sign3A_262 : i1 to i32
        %sign3A_264 = arith.subi %sign3A_260, %sign3A_263 : i32
        %sign3A_265 = arith.constant 0 : i32
        %sign3A_266 = arith.cmpi sgt, %jit3A_256, %sign3A_265 : i32
        %sign3A_267 = arith.extui %sign3A_266 : i1 to i32
        %sign3A_268 = arith.constant 0 : i32
        %sign3A_269 = arith.cmpi slt, %jit3A_256, %sign3A_268 : i32
        %sign3A_270 = arith.extui %sign3A_269 : i1 to i32
        %sign3A_271 = arith.subi %sign3A_267, %sign3A_270 : i32
        %ne3A_272 = arith.cmpi ne, %sign3A_264, %sign3A_271 : i32
        %rem3A_273 = arith.remsi %scan3A_255, %jit3A_256 : i32
        %ne3A_274 = arith.constant 0 : i32
        %ne3A_275 = arith.cmpi ne, %rem3A_273, %ne3A_274 : i32
        %and3A_276 = arith.andi %ne3A_272, %ne3A_275 : i1
        %sub3A_277 = arith.constant 1 : i32
        %sub3A_278 = arith.subi %div3A_257, %sub3A_277 : i32
        %select_n3A_279 = arith.select %and3A_276, %sub3A_278, %div3A_257 : i32
        %jit3A_280 = arith.constant 128 : i32
        %eq3A_281 = arith.constant 0 : i32
        %eq3A_282 = arith.cmpi eq, %jit3A_280, %eq3A_281 : i32
        %jit3A_283 = arith.constant 1 : i32
        %select_n3A_284 = arith.select %eq3A_282, %jit3A_283, %jit3A_280 : i32
        %rem3A_285 = arith.remsi %scan3A_255, %select_n3A_284 : i32
        %ne3A_286 = arith.constant 0 : i32
        %ne3A_287 = arith.cmpi ne, %rem3A_285, %ne3A_286 : i32
        %lt3A_288 = arith.constant 0 : i32
        %lt3A_289 = arith.cmpi slt, %rem3A_285, %lt3A_288 : i32
        %lt3A_290 = arith.constant 0 : i32
        %lt3A_291 = arith.cmpi slt, %select_n3A_284, %lt3A_290 : i32
        %ne3A_292 = arith.xori %lt3A_289, %lt3A_291 : i1
        %and3A_293 = arith.andi %ne3A_292, %ne3A_287 : i1
        %add3A_294 = arith.addi %rem3A_285, %select_n3A_284 : i32
        %select_n3A_295 = arith.select %and3A_293, %add3A_294, %rem3A_285 : i32
        %mul3A_296 = arith.constant 16 : i32
        %mul3A_297 = arith.muli %select_n3A_295, %mul3A_296 : i32
        %get3A_298 = arith.index_cast %select_n3A_279 : i32 to index
        %get3A_299 = arith.index_cast %mul3A_297 : i32 to index
        %get3A_300 = tpu.vector_load %arg4[%get3A_298, %get3A_299] {strides = array<i32>} : memref<8x8192xi32, #tpu.memory_space<vmem>>, vector<1x16xi32>,
        %get3A_301 = vector.shape_cast %get3A_300 : vector<1x16xi32> to vector<16xi32>
        %add3A_302 = arith.constant 2048 : i32
        %add3A_303 = arith.addi %add3A_302, %mul3A_297 : i32
        %get3A_304 = arith.index_cast %select_n3A_279 : i32 to index
        %get3A_305 = arith.index_cast %add3A_303 : i32 to index
        %get3A_306 = tpu.vector_load %arg4[%get3A_304, %get3A_305] {strides = array<i32>} : memref<8x8192xi32, #tpu.memory_space<vmem>>, vector<1x16xi32>,
        %get3A_307 = vector.shape_cast %get3A_306 : vector<1x16xi32> to vector<16xi32>
        %shift_left3A_308 = arith.constant 8 : i32
        %shift_left3A_309 = vector.broadcast %shift_left3A_308 : i32 to vector<16xi32>
        %shift_left3A_310 = arith.shli %get3A_307, %shift_left3A_309 : vector<16xi32>
        %or3A_311 = arith.ori %get3A_301, %shift_left3A_310 : vector<16xi32>
        %add3A_312 = arith.constant 4096 : i32
        %add3A_313 = arith.addi %add3A_312, %mul3A_297 : i32
        %get3A_314 = arith.index_cast %select_n3A_279 : i32 to index
        %get3A_315 = arith.index_cast %add3A_313 : i32 to index
        %get3A_316 = tpu.vector_load %arg4[%get3A_314, %get3A_315] {strides = array<i32>} : memref<8x8192xi32, #tpu.memory_space<vmem>>, vector<1x16xi32>,
        %get3A_317 = vector.shape_cast %get3A_316 : vector<1x16xi32> to vector<16xi32>
        %shift_left3A_318 = arith.constant 16 : i32
        %shift_left3A_319 = vector.broadcast %shift_left3A_318 : i32 to vector<16xi32>
        %shift_left3A_320 = arith.shli %get3A_317, %shift_left3A_319 : vector<16xi32>
        %or3A_321 = arith.ori %or3A_311, %shift_left3A_320 : vector<16xi32>
        %add3A_322 = arith.constant 6144 : i32
        %add3A_323 = arith.addi %add3A_322, %mul3A_297 : i32
        %get3A_324 = arith.index_cast %select_n3A_279 : i32 to index
        %get3A_325 = arith.index_cast %add3A_323 : i32 to index
        %get3A_326 = tpu.vector_load %arg4[%get3A_324, %get3A_325] {strides = array<i32>} : memref<8x8192xi32, #tpu.memory_space<vmem>>, vector<1x16xi32>,
        %get3A_327 = vector.shape_cast %get3A_326 : vector<1x16xi32> to vector<16xi32>
        %shift_left3A_328 = arith.constant 24 : i32
        %shift_left3A_329 = vector.broadcast %shift_left3A_328 : i32 to vector<16xi32>
        %shift_left3A_330 = arith.shli %get3A_327, %shift_left3A_329 : vector<16xi32>
        %or3A_331 = arith.ori %or3A_321, %shift_left3A_330 : vector<16xi32>
        %swap3A_332 = arith.index_cast %select_n3A_279 : i32 to index
        %swap3A_333 = arith.index_cast %mul3A_297 : i32 to index
        %swap3A_334 = tpu.vector_load %arg5[%swap3A_332, %swap3A_333] {strides = array<i32>} : memref<8x2048xi32, #tpu.memory_space<vmem>>, vector<1x16xi32>,
        %swap3A_335 = vector.shape_cast %swap3A_334 : vector<1x16xi32> to vector<16xi32>
        %swap3A_336 = vector.shape_cast %or3A_331 : vector<16xi32> to vector<1x16xi32>
        tpu.vector_store %arg5[%swap3A_332, %swap3A_333], %swap3A_336 {strides = array<i32>} : memref<8x2048xi32, #tpu.memory_space<vmem>>, vector<1x16xi32>,
        %scan3A_337 = arith.constant 4 : i32
        %scan3A_338 = arith.addi %scan3A_20, %scan3A_337 : i32
        %jit3A_339 = arith.constant 128 : i32
        %div3A_340 = arith.divsi %scan3A_338, %jit3A_339 : i32
        %sign3A_341 = arith.constant 0 : i32
        %sign3A_342 = arith.cmpi sgt, %scan3A_338, %sign3A_341 : i32
        %sign3A_343 = arith.extui %sign3A_342 : i1 to i32
        %sign3A_344 = arith.constant 0 : i32
        %sign3A_345 = arith.cmpi slt, %scan3A_338, %sign3A_344 : i32
        %sign3A_346 = arith.extui %sign3A_345 : i1 to i32
        %sign3A_347 = arith.subi %sign3A_343, %sign3A_346 : i32
        %sign3A_348 = arith.constant 0 : i32
        %sign3A_349 = arith.cmpi sgt, %jit3A_339, %sign3A_348 : i32
        %sign3A_350 = arith.extui %sign3A_349 : i1 to i32
        %sign3A_351 = arith.constant 0 : i32
        %sign3A_352 = arith.cmpi slt, %jit3A_339, %sign3A_351 : i32
        %sign3A_353 = arith.extui %sign3A_352 : i1 to i32
        %sign3A_354 = arith.subi %sign3A_350, %sign3A_353 : i32
        %ne3A_355 = arith.cmpi ne, %sign3A_347, %sign3A_354 : i32
        %rem3A_356 = arith.remsi %scan3A_338, %jit3A_339 : i32
        %ne3A_357 = arith.constant 0 : i32
        %ne3A_358 = arith.cmpi ne, %rem3A_356, %ne3A_357 : i32
        %and3A_359 = arith.andi %ne3A_355, %ne3A_358 : i1
        %sub3A_360 = arith.constant 1 : i32
        %sub3A_361 = arith.subi %div3A_340, %sub3A_360 : i32
        %select_n3A_362 = arith.select %and3A_359, %sub3A_361, %div3A_340 : i32
        %jit3A_363 = arith.constant 128 : i32
        %eq3A_364 = arith.constant 0 : i32
        %eq3A_365 = arith.cmpi eq, %jit3A_363, %eq3A_364 : i32
        %jit3A_366 = arith.constant 1 : i32
        %select_n3A_367 = arith.select %eq3A_365, %jit3A_366, %jit3A_363 : i32
        %rem3A_368 = arith.remsi %scan3A_338, %select_n3A_367 : i32
        %ne3A_369 = arith.constant 0 : i32
        %ne3A_370 = arith.cmpi ne, %rem3A_368, %ne3A_369 : i32
        %lt3A_371 = arith.constant 0 : i32
        %lt3A_372 = arith.cmpi slt, %rem3A_368, %lt3A_371 : i32
        %lt3A_373 = arith.constant 0 : i32
        %lt3A_374 = arith.cmpi slt, %select_n3A_367, %lt3A_373 : i32
        %ne3A_375 = arith.xori %lt3A_372, %lt3A_374 : i1
        %and3A_376 = arith.andi %ne3A_375, %ne3A_370 : i1
        %add3A_377 = arith.addi %rem3A_368, %select_n3A_367 : i32
        %select_n3A_378 = arith.select %and3A_376, %add3A_377, %rem3A_368 : i32
        %mul3A_379 = arith.constant 16 : i32
        %mul3A_380 = arith.muli %select_n3A_378, %mul3A_379 : i32
        %get3A_381 = arith.index_cast %select_n3A_362 : i32 to index
        %get3A_382 = arith.index_cast %mul3A_380 : i32 to index
        %get3A_383 = tpu.vector_load %arg4[%get3A_381, %get3A_382] {strides = array<i32>} : memref<8x8192xi32, #tpu.memory_space<vmem>>, vector<1x16xi32>,
        %get3A_384 = vector.shape_cast %get3A_383 : vector<1x16xi32> to vector<16xi32>
        %add3A_385 = arith.constant 2048 : i32
        %add3A_386 = arith.addi %add3A_385, %mul3A_380 : i32
        %get3A_387 = arith.index_cast %select_n3A_362 : i32 to index
        %get3A_388 = arith.index_cast %add3A_386 : i32 to index
        %get3A_389 = tpu.vector_load %arg4[%get3A_387, %get3A_388] {strides = array<i32>} : memref<8x8192xi32, #tpu.memory_space<vmem>>, vector<1x16xi32>,
        %get3A_390 = vector.shape_cast %get3A_389 : vector<1x16xi32> to vector<16xi32>
        %shift_left3A_391 = arith.constant 8 : i32
        %shift_left3A_392 = vector.broadcast %shift_left3A_391 : i32 to vector<16xi32>
        %shift_left3A_393 = arith.shli %get3A_390, %shift_left3A_392 : vector<16xi32>
        %or3A_394 = arith.ori %get3A_384, %shift_left3A_393 : vector<16xi32>
        %add3A_395 = arith.constant 4096 : i32
        %add3A_396 = arith.addi %add3A_395, %mul3A_380 : i32
        %get3A_397 = arith.index_cast %select_n3A_362 : i32 to index
        %get3A_398 = arith.index_cast %add3A_396 : i32 to index
        %get3A_399 = tpu.vector_load %arg4[%get3A_397, %get3A_398] {strides = array<i32>} : memref<8x8192xi32, #tpu.memory_space<vmem>>, vector<1x16xi32>,
        %get3A_400 = vector.shape_cast %get3A_399 : vector<1x16xi32> to vector<16xi32>
        %shift_left3A_401 = arith.constant 16 : i32
        %shift_left3A_402 = vector.broadcast %shift_left3A_401 : i32 to vector<16xi32>
        %shift_left3A_403 = arith.shli %get3A_400, %shift_left3A_402 : vector<16xi32>
        %or3A_404 = arith.ori %or3A_394, %shift_left3A_403 : vector<16xi32>
        %add3A_405 = arith.constant 6144 : i32
        %add3A_406 = arith.addi %add3A_405, %mul3A_380 : i32
        %get3A_407 = arith.index_cast %select_n3A_362 : i32 to index
        %get3A_408 = arith.index_cast %add3A_406 : i32 to index
        %get3A_409 = tpu.vector_load %arg4[%get3A_407, %get3A_408] {strides = array<i32>} : memref<8x8192xi32, #tpu.memory_space<vmem>>, vector<1x16xi32>,
        %get3A_410 = vector.shape_cast %get3A_409 : vector<1x16xi32> to vector<16xi32>
        %shift_left3A_411 = arith.constant 24 : i32
        %shift_left3A_412 = vector.broadcast %shift_left3A_411 : i32 to vector<16xi32>
        %shift_left3A_413 = arith.shli %get3A_410, %shift_left3A_412 : vector<16xi32>
        %or3A_414 = arith.ori %or3A_404, %shift_left3A_413 : vector<16xi32>
        %swap3A_415 = arith.index_cast %select_n3A_362 : i32 to index
        %swap3A_416 = arith.index_cast %mul3A_380 : i32 to index
        %swap3A_417 = tpu.vector_load %arg5[%swap3A_415, %swap3A_416] {strides = array<i32>} : memref<8x2048xi32, #tpu.memory_space<vmem>>, vector<1x16xi32>,
        %swap3A_418 = vector.shape_cast %swap3A_417 : vector<1x16xi32> to vector<16xi32>
        %swap3A_419 = vector.shape_cast %or3A_414 : vector<16xi32> to vector<1x16xi32>
        tpu.vector_store %arg5[%swap3A_415, %swap3A_416], %swap3A_419 {strides = array<i32>} : memref<8x2048xi32, #tpu.memory_space<vmem>>, vector<1x16xi32>,
        %scan3A_420 = arith.constant 5 : i32
        %scan3A_421 = arith.addi %scan3A_20, %scan3A_420 : i32
        %jit3A_422 = arith.constant 128 : i32
        %div3A_423 = arith.divsi %scan3A_421, %jit3A_422 : i32
        %sign3A_424 = arith.constant 0 : i32
        %sign3A_425 = arith.cmpi sgt, %scan3A_421, %sign3A_424 : i32
        %sign3A_426 = arith.extui %sign3A_425 : i1 to i32
        %sign3A_427 = arith.constant 0 : i32
        %sign3A_428 = arith.cmpi slt, %scan3A_421, %sign3A_427 : i32
        %sign3A_429 = arith.extui %sign3A_428 : i1 to i32
        %sign3A_430 = arith.subi %sign3A_426, %sign3A_429 : i32
        %sign3A_431 = arith.constant 0 : i32
        %sign3A_432 = arith.cmpi sgt, %jit3A_422, %sign3A_431 : i32
        %sign3A_433 = arith.extui %sign3A_432 : i1 to i32
        %sign3A_434 = arith.constant 0 : i32
        %sign3A_435 = arith.cmpi slt, %jit3A_422, %sign3A_434 : i32
        %sign3A_436 = arith.extui %sign3A_435 : i1 to i32
        %sign3A_437 = arith.subi %sign3A_433, %sign3A_436 : i32
        %ne3A_438 = arith.cmpi ne, %sign3A_430, %sign3A_437 : i32
        %rem3A_439 = arith.remsi %scan3A_421, %jit3A_422 : i32
        %ne3A_440 = arith.constant 0 : i32
        %ne3A_441 = arith.cmpi ne, %rem3A_439, %ne3A_440 : i32
        %and3A_442 = arith.andi %ne3A_438, %ne3A_441 : i1
        %sub3A_443 = arith.constant 1 : i32
        %sub3A_444 = arith.subi %div3A_423, %sub3A_443 : i32
        %select_n3A_445 = arith.select %and3A_442, %sub3A_444, %div3A_423 : i32
        %jit3A_446 = arith.constant 128 : i32
        %eq3A_447 = arith.constant 0 : i32
        %eq3A_448 = arith.cmpi eq, %jit3A_446, %eq3A_447 : i32
        %jit3A_449 = arith.constant 1 : i32
        %select_n3A_450 = arith.select %eq3A_448, %jit3A_449, %jit3A_446 : i32
        %rem3A_451 = arith.remsi %scan3A_421, %select_n3A_450 : i32
        %ne3A_452 = arith.constant 0 : i32
        %ne3A_453 = arith.cmpi ne, %rem3A_451, %ne3A_452 : i32
        %lt3A_454 = arith.constant 0 : i32
        %lt3A_455 = arith.cmpi slt, %rem3A_451, %lt3A_454 : i32
        %lt3A_456 = arith.constant 0 : i32
        %lt3A_457 = arith.cmpi slt, %select_n3A_450, %lt3A_456 : i32
        %ne3A_458 = arith.xori %lt3A_455, %lt3A_457 : i1
        %and3A_459 = arith.andi %ne3A_458, %ne3A_453 : i1
        %add3A_460 = arith.addi %rem3A_451, %select_n3A_450 : i32
        %select_n3A_461 = arith.select %and3A_459, %add3A_460, %rem3A_451 : i32
        %mul3A_462 = arith.constant 16 : i32
        %mul3A_463 = arith.muli %select_n3A_461, %mul3A_462 : i32
        %get3A_464 = arith.index_cast %select_n3A_445 : i32 to index
        %get3A_465 = arith.index_cast %mul3A_463 : i32 to index
        %get3A_466 = tpu.vector_load %arg4[%get3A_464, %get3A_465] {strides = array<i32>} : memref<8x8192xi32, #tpu.memory_space<vmem>>, vector<1x16xi32>,
        %get3A_467 = vector.shape_cast %get3A_466 : vector<1x16xi32> to vector<16xi32>
        %add3A_468 = arith.constant 2048 : i32
        %add3A_469 = arith.addi %add3A_468, %mul3A_463 : i32
        %get3A_470 = arith.index_cast %select_n3A_445 : i32 to index
        %get3A_471 = arith.index_cast %add3A_469 : i32 to index
        %get3A_472 = tpu.vector_load %arg4[%get3A_470, %get3A_471] {strides = array<i32>} : memref<8x8192xi32, #tpu.memory_space<vmem>>, vector<1x16xi32>,
        %get3A_473 = vector.shape_cast %get3A_472 : vector<1x16xi32> to vector<16xi32>
        %shift_left3A_474 = arith.constant 8 : i32
        %shift_left3A_475 = vector.broadcast %shift_left3A_474 : i32 to vector<16xi32>
        %shift_left3A_476 = arith.shli %get3A_473, %shift_left3A_475 : vector<16xi32>
        %or3A_477 = arith.ori %get3A_467, %shift_left3A_476 : vector<16xi32>
        %add3A_478 = arith.constant 4096 : i32
        %add3A_479 = arith.addi %add3A_478, %mul3A_463 : i32
        %get3A_480 = arith.index_cast %select_n3A_445 : i32 to index
        %get3A_481 = arith.index_cast %add3A_479 : i32 to index
        %get3A_482 = tpu.vector_load %arg4[%get3A_480, %get3A_481] {strides = array<i32>} : memref<8x8192xi32, #tpu.memory_space<vmem>>, vector<1x16xi32>,
        %get3A_483 = vector.shape_cast %get3A_482 : vector<1x16xi32> to vector<16xi32>
        %shift_left3A_484 = arith.constant 16 : i32
        %shift_left3A_485 = vector.broadcast %shift_left3A_484 : i32 to vector<16xi32>
        %shift_left3A_486 = arith.shli %get3A_483, %shift_left3A_485 : vector<16xi32>
        %or3A_487 = arith.ori %or3A_477, %shift_left3A_486 : vector<16xi32>
        %add3A_488 = arith.constant 6144 : i32
        %add3A_489 = arith.addi %add3A_488, %mul3A_463 : i32
        %get3A_490 = arith.index_cast %select_n3A_445 : i32 to index
        %get3A_491 = arith.index_cast %add3A_489 : i32 to index
        %get3A_492 = tpu.vector_load %arg4[%get3A_490, %get3A_491] {strides = array<i32>} : memref<8x8192xi32, #tpu.memory_space<vmem>>, vector<1x16xi32>,
        %get3A_493 = vector.shape_cast %get3A_492 : vector<1x16xi32> to vector<16xi32>
        %shift_left3A_494 = arith.constant 24 : i32
        %shift_left3A_495 = vector.broadcast %shift_left3A_494 : i32 to vector<16xi32>
        %shift_left3A_496 = arith.shli %get3A_493, %shift_left3A_495 : vector<16xi32>
        %or3A_497 = arith.ori %or3A_487, %shift_left3A_496 : vector<16xi32>
        %swap3A_498 = arith.index_cast %select_n3A_445 : i32 to index
        %swap3A_499 = arith.index_cast %mul3A_463 : i32 to index
        %swap3A_500 = tpu.vector_load %arg5[%swap3A_498, %swap3A_499] {strides = array<i32>} : memref<8x2048xi32, #tpu.memory_space<vmem>>, vector<1x16xi32>,
        %swap3A_501 = vector.shape_cast %swap3A_500 : vector<1x16xi32> to vector<16xi32>
        %swap3A_502 = vector.shape_cast %or3A_497 : vector<16xi32> to vector<1x16xi32>
        tpu.vector_store %arg5[%swap3A_498, %swap3A_499], %swap3A_502 {strides = array<i32>} : memref<8x2048xi32, #tpu.memory_space<vmem>>, vector<1x16xi32>,
        %scan3A_503 = arith.constant 6 : i32
        %scan3A_504 = arith.addi %scan3A_20, %scan3A_503 : i32
        %jit3A_505 = arith.constant 128 : i32
        %div3A_506 = arith.divsi %scan3A_504, %jit3A_505 : i32
        %sign3A_507 = arith.constant 0 : i32
        %sign3A_508 = arith.cmpi sgt, %scan3A_504, %sign3A_507 : i32
        %sign3A_509 = arith.extui %sign3A_508 : i1 to i32
        %sign3A_510 = arith.constant 0 : i32
        %sign3A_511 = arith.cmpi slt, %scan3A_504, %sign3A_510 : i32
        %sign3A_512 = arith.extui %sign3A_511 : i1 to i32
        %sign3A_513 = arith.subi %sign3A_509, %sign3A_512 : i32
        %sign3A_514 = arith.constant 0 : i32
        %sign3A_515 = arith.cmpi sgt, %jit3A_505, %sign3A_514 : i32
        %sign3A_516 = arith.extui %sign3A_515 : i1 to i32
        %sign3A_517 = arith.constant 0 : i32
        %sign3A_518 = arith.cmpi slt, %jit3A_505, %sign3A_517 : i32
        %sign3A_519 = arith.extui %sign3A_518 : i1 to i32
        %sign3A_520 = arith.subi %sign3A_516, %sign3A_519 : i32
        %ne3A_521 = arith.cmpi ne, %sign3A_513, %sign3A_520 : i32
        %rem3A_522 = arith.remsi %scan3A_504, %jit3A_505 : i32
        %ne3A_523 = arith.constant 0 : i32
        %ne3A_524 = arith.cmpi ne, %rem3A_522, %ne3A_523 : i32
        %and3A_525 = arith.andi %ne3A_521, %ne3A_524 : i1
        %sub3A_526 = arith.constant 1 : i32
        %sub3A_527 = arith.subi %div3A_506, %sub3A_526 : i32
        %select_n3A_528 = arith.select %and3A_525, %sub3A_527, %div3A_506 : i32
        %jit3A_529 = arith.constant 128 : i32
        %eq3A_530 = arith.constant 0 : i32
        %eq3A_531 = arith.cmpi eq, %jit3A_529, %eq3A_530 : i32
        %jit3A_532 = arith.constant 1 : i32
        %select_n3A_533 = arith.select %eq3A_531, %jit3A_532, %jit3A_529 : i32
        %rem3A_534 = arith.remsi %scan3A_504, %select_n3A_533 : i32
        %ne3A_535 = arith.constant 0 : i32
        %ne3A_536 = arith.cmpi ne, %rem3A_534, %ne3A_535 : i32
        %lt3A_537 = arith.constant 0 : i32
        %lt3A_538 = arith.cmpi slt, %rem3A_534, %lt3A_537 : i32
        %lt3A_539 = arith.constant 0 : i32
        %lt3A_540 = arith.cmpi slt, %select_n3A_533, %lt3A_539 : i32
        %ne3A_541 = arith.xori %lt3A_538, %lt3A_540 : i1
        %and3A_542 = arith.andi %ne3A_541, %ne3A_536 : i1
        %add3A_543 = arith.addi %rem3A_534, %select_n3A_533 : i32
        %select_n3A_544 = arith.select %and3A_542, %add3A_543, %rem3A_534 : i32
        %mul3A_545 = arith.constant 16 : i32
        %mul3A_546 = arith.muli %select_n3A_544, %mul3A_545 : i32
        %get3A_547 = arith.index_cast %select_n3A_528 : i32 to index
        %get3A_548 = arith.index_cast %mul3A_546 : i32 to index
        %get3A_549 = tpu.vector_load %arg4[%get3A_547, %get3A_548] {strides = array<i32>} : memref<8x8192xi32, #tpu.memory_space<vmem>>, vector<1x16xi32>,
        %get3A_550 = vector.shape_cast %get3A_549 : vector<1x16xi32> to vector<16xi32>
        %add3A_551 = arith.constant 2048 : i32
        %add3A_552 = arith.addi %add3A_551, %mul3A_546 : i32
        %get3A_553 = arith.index_cast %select_n3A_528 : i32 to index
        %get3A_554 = arith.index_cast %add3A_552 : i32 to index
        %get3A_555 = tpu.vector_load %arg4[%get3A_553, %get3A_554] {strides = array<i32>} : memref<8x8192xi32, #tpu.memory_space<vmem>>, vector<1x16xi32>,
        %get3A_556 = vector.shape_cast %get3A_555 : vector<1x16xi32> to vector<16xi32>
        %shift_left3A_557 = arith.constant 8 : i32
        %shift_left3A_558 = vector.broadcast %shift_left3A_557 : i32 to vector<16xi32>
        %shift_left3A_559 = arith.shli %get3A_556, %shift_left3A_558 : vector<16xi32>
        %or3A_560 = arith.ori %get3A_550, %shift_left3A_559 : vector<16xi32>
        %add3A_561 = arith.constant 4096 : i32
        %add3A_562 = arith.addi %add3A_561, %mul3A_546 : i32
        %get3A_563 = arith.index_cast %select_n3A_528 : i32 to index
        %get3A_564 = arith.index_cast %add3A_562 : i32 to index
        %get3A_565 = tpu.vector_load %arg4[%get3A_563, %get3A_564] {strides = array<i32>} : memref<8x8192xi32, #tpu.memory_space<vmem>>, vector<1x16xi32>,
        %get3A_566 = vector.shape_cast %get3A_565 : vector<1x16xi32> to vector<16xi32>
        %shift_left3A_567 = arith.constant 16 : i32
        %shift_left3A_568 = vector.broadcast %shift_left3A_567 : i32 to vector<16xi32>
        %shift_left3A_569 = arith.shli %get3A_566, %shift_left3A_568 : vector<16xi32>
        %or3A_570 = arith.ori %or3A_560, %shift_left3A_569 : vector<16xi32>
        %add3A_571 = arith.constant 6144 : i32
        %add3A_572 = arith.addi %add3A_571, %mul3A_546 : i32
        %get3A_573 = arith.index_cast %select_n3A_528 : i32 to index
        %get3A_574 = arith.index_cast %add3A_572 : i32 to index
        %get3A_575 = tpu.vector_load %arg4[%get3A_573, %get3A_574] {strides = array<i32>} : memref<8x8192xi32, #tpu.memory_space<vmem>>, vector<1x16xi32>,
        %get3A_576 = vector.shape_cast %get3A_575 : vector<1x16xi32> to vector<16xi32>
        %shift_left3A_577 = arith.constant 24 : i32
        %shift_left3A_578 = vector.broadcast %shift_left3A_577 : i32 to vector<16xi32>
        %shift_left3A_579 = arith.shli %get3A_576, %shift_left3A_578 : vector<16xi32>
        %or3A_580 = arith.ori %or3A_570, %shift_left3A_579 : vector<16xi32>
        %swap3A_581 = arith.index_cast %select_n3A_528 : i32 to index
        %swap3A_582 = arith.index_cast %mul3A_546 : i32 to index
        %swap3A_583 = tpu.vector_load %arg5[%swap3A_581, %swap3A_582] {strides = array<i32>} : memref<8x2048xi32, #tpu.memory_space<vmem>>, vector<1x16xi32>,
        %swap3A_584 = vector.shape_cast %swap3A_583 : vector<1x16xi32> to vector<16xi32>
        %swap3A_585 = vector.shape_cast %or3A_580 : vector<16xi32> to vector<1x16xi32>
        tpu.vector_store %arg5[%swap3A_581, %swap3A_582], %swap3A_585 {strides = array<i32>} : memref<8x2048xi32, #tpu.memory_space<vmem>>, vector<1x16xi32>,
        %scan3A_586 = arith.constant 7 : i32
        %scan3A_587 = arith.addi %scan3A_20, %scan3A_586 : i32
        %jit3A_588 = arith.constant 128 : i32
        %div3A_589 = arith.divsi %scan3A_587, %jit3A_588 : i32
        %sign3A_590 = arith.constant 0 : i32
        %sign3A_591 = arith.cmpi sgt, %scan3A_587, %sign3A_590 : i32
        %sign3A_592 = arith.extui %sign3A_591 : i1 to i32
        %sign3A_593 = arith.constant 0 : i32
        %sign3A_594 = arith.cmpi slt, %scan3A_587, %sign3A_593 : i32
        %sign3A_595 = arith.extui %sign3A_594 : i1 to i32
        %sign3A_596 = arith.subi %sign3A_592, %sign3A_595 : i32
        %sign3A_597 = arith.constant 0 : i32
        %sign3A_598 = arith.cmpi sgt, %jit3A_588, %sign3A_597 : i32
        %sign3A_599 = arith.extui %sign3A_598 : i1 to i32
        %sign3A_600 = arith.constant 0 : i32
        %sign3A_601 = arith.cmpi slt, %jit3A_588, %sign3A_600 : i32
        %sign3A_602 = arith.extui %sign3A_601 : i1 to i32
        %sign3A_603 = arith.subi %sign3A_599, %sign3A_602 : i32
        %ne3A_604 = arith.cmpi ne, %sign3A_596, %sign3A_603 : i32
        %rem3A_605 = arith.remsi %scan3A_587, %jit3A_588 : i32
        %ne3A_606 = arith.constant 0 : i32
        %ne3A_607 = arith.cmpi ne, %rem3A_605, %ne3A_606 : i32
        %and3A_608 = arith.andi %ne3A_604, %ne3A_607 : i1
        %sub3A_609 = arith.constant 1 : i32
        %sub3A_610 = arith.subi %div3A_589, %sub3A_609 : i32
        %select_n3A_611 = arith.select %and3A_608, %sub3A_610, %div3A_589 : i32
        %jit3A_612 = arith.constant 128 : i32
        %eq3A_613 = arith.constant 0 : i32
        %eq3A_614 = arith.cmpi eq, %jit3A_612, %eq3A_613 : i32
        %jit3A_615 = arith.constant 1 : i32
        %select_n3A_616 = arith.select %eq3A_614, %jit3A_615, %jit3A_612 : i32
        %rem3A_617 = arith.remsi %scan3A_587, %select_n3A_616 : i32
        %ne3A_618 = arith.constant 0 : i32
        %ne3A_619 = arith.cmpi ne, %rem3A_617, %ne3A_618 : i32
        %lt3A_620 = arith.constant 0 : i32
        %lt3A_621 = arith.cmpi slt, %rem3A_617, %lt3A_620 : i32
        %lt3A_622 = arith.constant 0 : i32
        %lt3A_623 = arith.cmpi slt, %select_n3A_616, %lt3A_622 : i32
        %ne3A_624 = arith.xori %lt3A_621, %lt3A_623 : i1
        %and3A_625 = arith.andi %ne3A_624, %ne3A_619 : i1
        %add3A_626 = arith.addi %rem3A_617, %select_n3A_616 : i32
        %select_n3A_627 = arith.select %and3A_625, %add3A_626, %rem3A_617 : i32
        %mul3A_628 = arith.constant 16 : i32
        %mul3A_629 = arith.muli %select_n3A_627, %mul3A_628 : i32
        %get3A_630 = arith.index_cast %select_n3A_611 : i32 to index
        %get3A_631 = arith.index_cast %mul3A_629 : i32 to index
        %get3A_632 = tpu.vector_load %arg4[%get3A_630, %get3A_631] {strides = array<i32>} : memref<8x8192xi32, #tpu.memory_space<vmem>>, vector<1x16xi32>,
        %get3A_633 = vector.shape_cast %get3A_632 : vector<1x16xi32> to vector<16xi32>
        %add3A_634 = arith.constant 2048 : i32
        %add3A_635 = arith.addi %add3A_634, %mul3A_629 : i32
        %get3A_636 = arith.index_cast %select_n3A_611 : i32 to index
        %get3A_637 = arith.index_cast %add3A_635 : i32 to index
        %get3A_638 = tpu.vector_load %arg4[%get3A_636, %get3A_637] {strides = array<i32>} : memref<8x8192xi32, #tpu.memory_space<vmem>>, vector<1x16xi32>,
        %get3A_639 = vector.shape_cast %get3A_638 : vector<1x16xi32> to vector<16xi32>
        %shift_left3A_640 = arith.constant 8 : i32
        %shift_left3A_641 = vector.broadcast %shift_left3A_640 : i32 to vector<16xi32>
        %shift_left3A_642 = arith.shli %get3A_639, %shift_left3A_641 : vector<16xi32>
        %or3A_643 = arith.ori %get3A_633, %shift_left3A_642 : vector<16xi32>
        %add3A_644 = arith.constant 4096 : i32
        %add3A_645 = arith.addi %add3A_644, %mul3A_629 : i32
        %get3A_646 = arith.index_cast %select_n3A_611 : i32 to index
        %get3A_647 = arith.index_cast %add3A_645 : i32 to index
        %get3A_648 = tpu.vector_load %arg4[%get3A_646, %get3A_647] {strides = array<i32>} : memref<8x8192xi32, #tpu.memory_space<vmem>>, vector<1x16xi32>,
        %get3A_649 = vector.shape_cast %get3A_648 : vector<1x16xi32> to vector<16xi32>
        %shift_left3A_650 = arith.constant 16 : i32
        %shift_left3A_651 = vector.broadcast %shift_left3A_650 : i32 to vector<16xi32>
        %shift_left3A_652 = arith.shli %get3A_649, %shift_left3A_651 : vector<16xi32>
        %or3A_653 = arith.ori %or3A_643, %shift_left3A_652 : vector<16xi32>
        %add3A_654 = arith.constant 6144 : i32
        %add3A_655 = arith.addi %add3A_654, %mul3A_629 : i32
        %get3A_656 = arith.index_cast %select_n3A_611 : i32 to index
        %get3A_657 = arith.index_cast %add3A_655 : i32 to index
        %get3A_658 = tpu.vector_load %arg4[%get3A_656, %get3A_657] {strides = array<i32>} : memref<8x8192xi32, #tpu.memory_space<vmem>>, vector<1x16xi32>,
        %get3A_659 = vector.shape_cast %get3A_658 : vector<1x16xi32> to vector<16xi32>
        %shift_left3A_660 = arith.constant 24 : i32
        %shift_left3A_661 = vector.broadcast %shift_left3A_660 : i32 to vector<16xi32>
        %shift_left3A_662 = arith.shli %get3A_659, %shift_left3A_661 : vector<16xi32>
        %or3A_663 = arith.ori %or3A_653, %shift_left3A_662 : vector<16xi32>
        %swap3A_664 = arith.index_cast %select_n3A_611 : i32 to index
        %swap3A_665 = arith.index_cast %mul3A_629 : i32 to index
        %swap3A_666 = tpu.vector_load %arg5[%swap3A_664, %swap3A_665] {strides = array<i32>} : memref<8x2048xi32, #tpu.memory_space<vmem>>, vector<1x16xi32>,
        %swap3A_667 = vector.shape_cast %swap3A_666 : vector<1x16xi32> to vector<16xi32>
        %swap3A_668 = vector.shape_cast %or3A_663 : vector<16xi32> to vector<1x16xi32>
        tpu.vector_store %arg5[%swap3A_664, %swap3A_665], %swap3A_668 {strides = array<i32>} : memref<8x2048xi32, #tpu.memory_space<vmem>>, vector<1x16xi32>,
      }
      %scan3A_19 = arith.constant 1024 : i32
      "tpu.region"() ({
        %run_scoped3A = tpu.sem_alloc : memref<!tpu.dma_semaphore, #tpu.memory_space<semaphore_mem>>
        %dma_start3A = arith.constant 0 : i32
        %dma_start3A_20 = tpu.memref_slice %arg3[%add3A_11, %dma_start3A] : memref<2048x2048xi32, #tpu.memory_space<hbm>> -> memref<8x2048xi32, #tpu.memory_space<hbm>>
        %dma_start3A_21 = arith.constant 0 : i32
        %dma_start3A_22 = tpu.memref_slice %arg3[%add3A_11, %dma_start3A_21] : memref<2048x2048xi32, #tpu.memory_space<hbm>> -> memref<8x2048xi32, #tpu.memory_space<hbm>>
        tpu.enqueue_dma source(%arg5 : memref<8x2048xi32, #tpu.memory_space<vmem>>) target(%dma_start3A_22 : memref<8x2048xi32, #tpu.memory_space<hbm>>) target_semaphore(%run_scoped3A : memref<!tpu.dma_semaphore, #tpu.memory_space<semaphore_mem>>)
        %dma_wait3A = arith.constant 0 : i32
        %dma_wait3A_23 = tpu.memref_slice %arg3[%add3A_11, %dma_wait3A] : memref<2048x2048xi32, #tpu.memory_space<hbm>> -> memref<8x2048xi32, #tpu.memory_space<hbm>>
        %dma_wait3A_24 = arith.constant 0 : i32
        %dma_wait3A_25 = tpu.memref_slice %arg3[%add3A_11, %dma_wait3A_24] : memref<2048x2048xi32, #tpu.memory_space<hbm>> -> memref<8x2048xi32, #tpu.memory_space<hbm>>
        tpu.wait_dma2 semaphore(%run_scoped3A : memref<!tpu.dma_semaphore, #tpu.memory_space<semaphore_mem>>) src(%arg5 : memref<8x2048xi32, #tpu.memory_space<vmem>>) dst(%dma_wait3A_25 : memref<8x2048xi32, #tpu.memory_space<hbm>>)
        tpu.yield
      }) : () -> ()
    }
    %scan3A_7 = arith.constant 8 : i32
    return
  }
}

module attributes {stable_mosaic.version = 14 : i64} {
  func.func @_tc_raw_kernel(%arg0: i32, %arg1: memref<256x2048xi32, #tpu.memory_space<vmem>>, %arg2: memref<256x2048xi32, #tpu.memory_space<vmem>>, %arg3: memref<256x2048xi32, #tpu.memory_space<vmem>>, %arg4: memref<256x2048xi32, #tpu.memory_space<vmem>>, %arg5: memref<8192x64xbf16, #tpu.memory_space<vmem>>, %arg6: memref<256x64xf32, #tpu.memory_space<vmem>>, %arg7: memref<256x64xf32, #tpu.memory_space<vmem>>) attributes {dimension_semantics = [#tpu.dimension_semantics<arbitrary>], iteration_bounds = array<i64: 24>, scalar_prefetch = 0 : i64, scratch_operands = 0 : i64, tpu.core_type = #tpu.core_type<tc>, window_params = [{transform_indices = @transform_0, window_bounds = array<i64: 256, 2048>}, {transform_indices = @transform_1, window_bounds = array<i64: 256, 2048>}, {transform_indices = @transform_2, window_bounds = array<i64: 256, 2048>}, {transform_indices = @transform_3, window_bounds = array<i64: 256, 2048>}, {pipeline_mode = #tpu.pipeline_mode<synchronous>, transform_indices = @transform_4, window_bounds = array<i64: 8192, 64>}, {transform_indices = @transform_5, window_bounds = array<i64: 256, 64>}, {transform_indices = @transform_6, window_bounds = array<i64: 256, 64>}]} {
    %get3A = arith.constant 0 : index
    %get3A_0 = arith.constant 0 : index
    %get3A_1 = vector.load %arg1[%get3A, %get3A_0] : memref<256x2048xi32, #tpu.memory_space<vmem>>, vector<256x2048xi32>
    %convert_element_type3A = arith.sitofp %get3A_1 : vector<256x2048xi32> to vector<256x2048xbf16>
    %get3A_2 = arith.constant 0 : index
    %get3A_3 = arith.constant 0 : index
    %get3A_4 = vector.load %arg5[%get3A_2, %get3A_3] : memref<8192x64xbf16, #tpu.memory_space<vmem>>, vector<2048x64xbf16>
    %dot_general3A = arith.constant dense<0.000000e+00> : vector<256x64xf32>
    %dot_general3A_5 = tpu.matmul %convert_element_type3A, %get3A_4, %dot_general3A {dimension_numbers = #tpu.dot_dimension_numbers<[1], [0], [0], [1], [0, 0, 1, 1], [], []>, transpose_lhs_hint = false} : vector<256x2048xbf16>, vector<2048x64xbf16>, vector<256x64xf32> -> vector<256x64xf32>
    %get3A_6 = arith.constant 0 : index
    %get3A_7 = arith.constant 0 : index
    %get3A_8 = vector.load %arg2[%get3A_6, %get3A_7] : memref<256x2048xi32, #tpu.memory_space<vmem>>, vector<256x2048xi32>
    %convert_element_type3A_9 = arith.sitofp %get3A_8 : vector<256x2048xi32> to vector<256x2048xbf16>
    %get3A_10 = arith.constant 2048 : index
    %get3A_11 = arith.constant 0 : index
    %get3A_12 = vector.load %arg5[%get3A_10, %get3A_11] : memref<8192x64xbf16, #tpu.memory_space<vmem>>, vector<2048x64xbf16>
    %dot_general3A_13 = arith.constant dense<0.000000e+00> : vector<256x64xf32>
    %dot_general3A_14 = tpu.matmul %convert_element_type3A_9, %get3A_12, %dot_general3A_13 {dimension_numbers = #tpu.dot_dimension_numbers<[1], [0], [0], [1], [0, 0, 1, 1], [], []>, transpose_lhs_hint = false} : vector<256x2048xbf16>, vector<2048x64xbf16>, vector<256x64xf32> -> vector<256x64xf32>
    %add3A = arith.addf %dot_general3A_5, %dot_general3A_14 : vector<256x64xf32>
    %get3A_15 = arith.constant 0 : index
    %get3A_16 = arith.constant 0 : index
    %get3A_17 = vector.load %arg3[%get3A_15, %get3A_16] : memref<256x2048xi32, #tpu.memory_space<vmem>>, vector<256x2048xi32>
    %convert_element_type3A_18 = arith.sitofp %get3A_17 : vector<256x2048xi32> to vector<256x2048xbf16>
    %get3A_19 = arith.constant 4096 : index
    %get3A_20 = arith.constant 0 : index
    %get3A_21 = vector.load %arg5[%get3A_19, %get3A_20] : memref<8192x64xbf16, #tpu.memory_space<vmem>>, vector<2048x64xbf16>
    %dot_general3A_22 = arith.constant dense<0.000000e+00> : vector<256x64xf32>
    %dot_general3A_23 = tpu.matmul %convert_element_type3A_18, %get3A_21, %dot_general3A_22 {dimension_numbers = #tpu.dot_dimension_numbers<[1], [0], [0], [1], [0, 0, 1, 1], [], []>, transpose_lhs_hint = false} : vector<256x2048xbf16>, vector<2048x64xbf16>, vector<256x64xf32> -> vector<256x64xf32>
    %add3A_24 = arith.addf %add3A, %dot_general3A_23 : vector<256x64xf32>
    %get3A_25 = arith.constant 0 : index
    %get3A_26 = arith.constant 0 : index
    %get3A_27 = vector.load %arg4[%get3A_25, %get3A_26] : memref<256x2048xi32, #tpu.memory_space<vmem>>, vector<256x2048xi32>
    %convert_element_type3A_28 = arith.sitofp %get3A_27 : vector<256x2048xi32> to vector<256x2048xbf16>
    %get3A_29 = arith.constant 6144 : index
    %get3A_30 = arith.constant 0 : index
    %get3A_31 = vector.load %arg5[%get3A_29, %get3A_30] : memref<8192x64xbf16, #tpu.memory_space<vmem>>, vector<2048x64xbf16>
    %dot_general3A_32 = arith.constant dense<0.000000e+00> : vector<256x64xf32>
    %dot_general3A_33 = tpu.matmul %convert_element_type3A_28, %get3A_31, %dot_general3A_32 {dimension_numbers = #tpu.dot_dimension_numbers<[1], [0], [0], [1], [0, 0, 1, 1], [], []>, transpose_lhs_hint = false} : vector<256x2048xbf16>, vector<2048x64xbf16>, vector<256x64xf32> -> vector<256x64xf32>
    %add3A_34 = arith.addf %add3A_24, %dot_general3A_33 : vector<256x64xf32>
    %get3A_35 = arith.constant 0 : index
    %get3A_36 = arith.constant 0 : index
    %get3A_37 = vector.load %arg6[%get3A_35, %get3A_36] : memref<256x64xf32, #tpu.memory_space<vmem>>, vector<256x64xf32>
    %add3A_38 = arith.addf %get3A_37, %add3A_34 : vector<256x64xf32>
    %swap3A = arith.constant 0 : index
    %swap3A_39 = arith.constant 0 : index
    %swap3A_40 = vector.load %arg7[%swap3A, %swap3A_39] : memref<256x64xf32, #tpu.memory_space<vmem>>, vector<256x64xf32>
    tpu.vector_store %arg7[%swap3A, %swap3A_39], %add3A_38 {strides = array<i32>} : memref<256x64xf32, #tpu.memory_space<vmem>>, vector<256x64xf32>,
    return
  }
  func.func @transform_0(%arg0: i32) -> (i32, i32) {
    %c0_i32 = arith.constant 0 : i32
    %c0_i32_0 = arith.constant 0 : i32
    return %arg0, %c0_i32 : i32, i32
  }
  func.func @transform_1(%arg0: i32) -> (i32, i32) {
    %c1_i32 = arith.constant 1 : i32
    %c0_i32 = arith.constant 0 : i32
    return %arg0, %c1_i32 : i32, i32
  }
  func.func @transform_2(%arg0: i32) -> (i32, i32) {
    %c2_i32 = arith.constant 2 : i32
    %c0_i32 = arith.constant 0 : i32
    return %arg0, %c2_i32 : i32, i32
  }
  func.func @transform_3(%arg0: i32) -> (i32, i32) {
    %c3_i32 = arith.constant 3 : i32
    %c0_i32 = arith.constant 0 : i32
    return %arg0, %c3_i32 : i32, i32
  }
  func.func @transform_4(%arg0: i32) -> (i32, i32) {
    %c0_i32 = arith.constant 0 : i32
    %c0_i32_0 = arith.constant 0 : i32
    %c0_i32_1 = arith.constant 0 : i32
    return %c0_i32, %c0_i32_0 : i32, i32
  }
  func.func @transform_5(%arg0: i32) -> (i32, i32) {
    %c0_i32 = arith.constant 0 : i32
    %c0_i32_0 = arith.constant 0 : i32
    return %arg0, %c0_i32 : i32, i32
  }
  func.func @transform_6(%arg0: i32) -> (i32, i32) {
    %c0_i32 = arith.constant 0 : i32
    %c0_i32_0 = arith.constant 0 : i32
    return %arg0, %c0_i32 : i32, i32
  }
}

module attributes {stable_mosaic.version = 14 : i64} {
  func.func @_tc_packed_kernel(%arg0: i32, %arg1: memref<256x2048xi32, #tpu.memory_space<vmem>>, %arg2: memref<8192x64xbf16, #tpu.memory_space<vmem>>, %arg3: memref<256x64xf32, #tpu.memory_space<vmem>>, %arg4: memref<256x64xf32, #tpu.memory_space<vmem>>) attributes {dimension_semantics = [#tpu.dimension_semantics<arbitrary>], iteration_bounds = array<i64: 8>, scalar_prefetch = 0 : i64, scratch_operands = 0 : i64, tpu.core_type = #tpu.core_type<tc>, window_params = [{transform_indices = @transform_0, window_bounds = array<i64: 256, 2048>}, {pipeline_mode = #tpu.pipeline_mode<synchronous>, transform_indices = @transform_1, window_bounds = array<i64: 8192, 64>}, {transform_indices = @transform_2, window_bounds = array<i64: 256, 64>}, {transform_indices = @transform_3, window_bounds = array<i64: 256, 64>}]} {
    %get3A = arith.constant 0 : index
    %get3A_0 = arith.constant 0 : index
    %get3A_1 = vector.load %arg1[%get3A, %get3A_0] : memref<256x2048xi32, #tpu.memory_space<vmem>>, vector<256x2048xi32>
    %and3A = arith.constant 255 : i32
    %and3A_2 = vector.broadcast %and3A : i32 to vector<256x2048xi32>
    %and3A_3 = arith.andi %get3A_1, %and3A_2 : vector<256x2048xi32>
    %convert_element_type3A = arith.sitofp %and3A_3 : vector<256x2048xi32> to vector<256x2048xbf16>
    %get3A_4 = arith.constant 0 : index
    %get3A_5 = arith.constant 0 : index
    %get3A_6 = vector.load %arg2[%get3A_4, %get3A_5] : memref<8192x64xbf16, #tpu.memory_space<vmem>>, vector<2048x64xbf16>
    %dot_general3A = arith.constant dense<0.000000e+00> : vector<256x64xf32>
    %dot_general3A_7 = tpu.matmul %convert_element_type3A, %get3A_6, %dot_general3A {dimension_numbers = #tpu.dot_dimension_numbers<[1], [0], [0], [1], [0, 0, 1, 1], [], []>, transpose_lhs_hint = false} : vector<256x2048xbf16>, vector<2048x64xbf16>, vector<256x64xf32> -> vector<256x64xf32>
    %shift_right_arithmetic3A = arith.constant 8 : i32
    %shift_right_arithmetic3A_8 = vector.broadcast %shift_right_arithmetic3A : i32 to vector<256x2048xi32>
    %shift_right_arithmetic3A_9 = arith.shrsi %get3A_1, %shift_right_arithmetic3A_8 : vector<256x2048xi32>
    %and3A_10 = arith.constant 255 : i32
    %and3A_11 = vector.broadcast %and3A_10 : i32 to vector<256x2048xi32>
    %and3A_12 = arith.andi %shift_right_arithmetic3A_9, %and3A_11 : vector<256x2048xi32>
    %convert_element_type3A_13 = arith.sitofp %and3A_12 : vector<256x2048xi32> to vector<256x2048xbf16>
    %get3A_14 = arith.constant 2048 : index
    %get3A_15 = arith.constant 0 : index
    %get3A_16 = vector.load %arg2[%get3A_14, %get3A_15] : memref<8192x64xbf16, #tpu.memory_space<vmem>>, vector<2048x64xbf16>
    %dot_general3A_17 = arith.constant dense<0.000000e+00> : vector<256x64xf32>
    %dot_general3A_18 = tpu.matmul %convert_element_type3A_13, %get3A_16, %dot_general3A_17 {dimension_numbers = #tpu.dot_dimension_numbers<[1], [0], [0], [1], [0, 0, 1, 1], [], []>, transpose_lhs_hint = false} : vector<256x2048xbf16>, vector<2048x64xbf16>, vector<256x64xf32> -> vector<256x64xf32>
    %add3A = arith.addf %dot_general3A_7, %dot_general3A_18 : vector<256x64xf32>
    %shift_right_arithmetic3A_19 = arith.constant 16 : i32
    %shift_right_arithmetic3A_20 = vector.broadcast %shift_right_arithmetic3A_19 : i32 to vector<256x2048xi32>
    %shift_right_arithmetic3A_21 = arith.shrsi %get3A_1, %shift_right_arithmetic3A_20 : vector<256x2048xi32>
    %and3A_22 = arith.constant 255 : i32
    %and3A_23 = vector.broadcast %and3A_22 : i32 to vector<256x2048xi32>
    %and3A_24 = arith.andi %shift_right_arithmetic3A_21, %and3A_23 : vector<256x2048xi32>
    %convert_element_type3A_25 = arith.sitofp %and3A_24 : vector<256x2048xi32> to vector<256x2048xbf16>
    %get3A_26 = arith.constant 4096 : index
    %get3A_27 = arith.constant 0 : index
    %get3A_28 = vector.load %arg2[%get3A_26, %get3A_27] : memref<8192x64xbf16, #tpu.memory_space<vmem>>, vector<2048x64xbf16>
    %dot_general3A_29 = arith.constant dense<0.000000e+00> : vector<256x64xf32>
    %dot_general3A_30 = tpu.matmul %convert_element_type3A_25, %get3A_28, %dot_general3A_29 {dimension_numbers = #tpu.dot_dimension_numbers<[1], [0], [0], [1], [0, 0, 1, 1], [], []>, transpose_lhs_hint = false} : vector<256x2048xbf16>, vector<2048x64xbf16>, vector<256x64xf32> -> vector<256x64xf32>
    %add3A_31 = arith.addf %add3A, %dot_general3A_30 : vector<256x64xf32>
    %shift_right_arithmetic3A_32 = arith.constant 24 : i32
    %shift_right_arithmetic3A_33 = vector.broadcast %shift_right_arithmetic3A_32 : i32 to vector<256x2048xi32>
    %shift_right_arithmetic3A_34 = arith.shrsi %get3A_1, %shift_right_arithmetic3A_33 : vector<256x2048xi32>
    %and3A_35 = arith.constant 255 : i32
    %and3A_36 = vector.broadcast %and3A_35 : i32 to vector<256x2048xi32>
    %and3A_37 = arith.andi %shift_right_arithmetic3A_34, %and3A_36 : vector<256x2048xi32>
    %convert_element_type3A_38 = arith.sitofp %and3A_37 : vector<256x2048xi32> to vector<256x2048xbf16>
    %get3A_39 = arith.constant 6144 : index
    %get3A_40 = arith.constant 0 : index
    %get3A_41 = vector.load %arg2[%get3A_39, %get3A_40] : memref<8192x64xbf16, #tpu.memory_space<vmem>>, vector<2048x64xbf16>
    %dot_general3A_42 = arith.constant dense<0.000000e+00> : vector<256x64xf32>
    %dot_general3A_43 = tpu.matmul %convert_element_type3A_38, %get3A_41, %dot_general3A_42 {dimension_numbers = #tpu.dot_dimension_numbers<[1], [0], [0], [1], [0, 0, 1, 1], [], []>, transpose_lhs_hint = false} : vector<256x2048xbf16>, vector<2048x64xbf16>, vector<256x64xf32> -> vector<256x64xf32>
    %add3A_44 = arith.addf %add3A_31, %dot_general3A_43 : vector<256x64xf32>
    %get3A_45 = arith.constant 0 : index
    %get3A_46 = arith.constant 0 : index
    %get3A_47 = vector.load %arg3[%get3A_45, %get3A_46] : memref<256x64xf32, #tpu.memory_space<vmem>>, vector<256x64xf32>
    %add3A_48 = arith.addf %get3A_47, %add3A_44 : vector<256x64xf32>
    %swap3A = arith.constant 0 : index
    %swap3A_49 = arith.constant 0 : index
    %swap3A_50 = vector.load %arg4[%swap3A, %swap3A_49] : memref<256x64xf32, #tpu.memory_space<vmem>>, vector<256x64xf32>
    tpu.vector_store %arg4[%swap3A, %swap3A_49], %add3A_48 {strides = array<i32>} : memref<256x64xf32, #tpu.memory_space<vmem>>, vector<256x64xf32>,
    return
  }
  func.func @transform_0(%arg0: i32) -> (i32, i32) {
    %c0_i32 = arith.constant 0 : i32
    %c0_i32_0 = arith.constant 0 : i32
    return %arg0, %c0_i32 : i32, i32
  }
  func.func @transform_1(%arg0: i32) -> (i32, i32) {
    %c0_i32 = arith.constant 0 : i32
    %c0_i32_0 = arith.constant 0 : i32
    %c0_i32_1 = arith.constant 0 : i32
    return %c0_i32, %c0_i32_0 : i32, i32
  }
  func.func @transform_2(%arg0: i32) -> (i32, i32) {
    %add3A = arith.constant 24 : i32
    %add3A_0 = arith.addi %arg0, %add3A : i32
    %c0_i32 = arith.constant 0 : i32
    %c0_i32_1 = arith.constant 0 : i32
    return %add3A_0, %c0_i32 : i32, i32
  }
  func.func @transform_3(%arg0: i32) -> (i32, i32) {
    %c0_i32 = arith.constant 0 : i32
    %c0_i32_0 = arith.constant 0 : i32
    return %arg0, %c0_i32 : i32, i32
  }
}

</mosaic_0001>

<sc_bundles>
// kernel: kernel.5.cloned.1.call-start
scs
__scs_entry_jumppad:
0x0: {  	(pc) =	sbr.rel $0x88, $3  }
0x1: {  	(tag) =	ssettag $0x0;
	lr =	simm.s32 $0x1  }
0x2: {  	[smem:$0x3F9F] =	sst lr;
	_ =	strace $0xD0000000  }
0x3: {  	_ = 	snop  }
0x4: {  	_ = 	snop  }
0x5: {  	_ = 	snop  }
0x6: {  	_ = 	snop  }
0x7: {  	_ = 	snop  }
__scs_overlays_trampoline_lowered:
0x8: {  	[smem:$0x3FAE] =	sst s0  }
0x9: {  	[smem:$0x3FAF] =	sst s1  }
0xa: {  	[smem:$0x3FB0] =	sst s2  }
0xb: {  	[smem:$0x3FB1] =	sst s3  }
0xc: {  	[smem:$0x3FB2] =	sst s4  }
0xd: {  	[smem:$0x3FB3] =	sst s5  }
0xe: {  	[smem:$0x3FB4] =	sst s6  }
0xf: {  	[smem:$0x3FB5] =	sst s7  }
0x10: {  	[smem:$0x3FB6] =	sst s8  }
0x11: {  	[smem:$0x3FB7] =	sst s9;
	s0 =	simm.s32 @!p0 $0x0  }
0x12: {  	s1 =	sld [smem:$0x3F9D];
	s0 =	simm.s32 @p0 $0x1  }
0x13: {  	[smem:$0x3FB8] =	sst s0;
	s0 =	simm.s32 @!p1 $0x0  }
0x14: {  	s2 =	sld [smem:$0x3F9C];
	s0 =	simm.s32 @p1 $0x1  }
0x15: {  	[smem:$0x3FB9] =	sst s0;
	s0 =	simm.s32 @!p2 $0x0  }
0x16: {  	s3 =	sld [smem:$0x3FDB];
	s0 =	simm.s32 @p2 $0x1  }
0x17: {  	s4 =	simm.s32 $0x1BF5;
	[smem:$0x3FBB] =	sst s0  }
0x18: {  	s0 =	sld [smem:$0x3F9E];
	_ =	swait.ge [sflag:s4], $0x0  }
0x19: {  	s7 =	sld [smem:$0x3F9F]  }
0x1a: {  	s8 =	sadd.s32 $0xFFFFE003, lr  }
0x1b: {  	s9 =	sadd.s32 $0xFFFFFEF7, lr;
	s5 =	simm.s32 $0xFFFFFFFF;
	p2 =	slt.u32 s8, $0xFFFFF086  }
0x1c: {  	p1 =	slt.u32 s9, $0xF7A;
	s5 =	simm.s32 @!p2 $0x0  }
0x1d: {  	s5 =	simm.s32 @p1 $0x1;
	p0 =	seq.s32 s7, s2  }
0x1e: {  	s7 =	smul.u32 @!p0 $0xF7A, s2;
	p2 =	seq.s32 @!p0 s5, $0x0  }
0x1f: {  	s9 =	smul.u32 $0xF7A, s1;
	s8 =	simm.s32 @!p0 $0x1BF5;
	p2 =	por !p2, p0  }
0x20: {  	[sflag:s8] =	ssyncset.s32 @!p0 $0xFFFFF086;
	s6 =	sadd.s32 @!p0 s3, s7;
	s7 =	simm.s32 @!p0 $0x108  }
0x21: {  	s3 =	sadd.s32 s3, s9;
	s6 =	sadd.s32 @!p0 $0x88, s6;
	s7 =	simm.s32 @p2 $0x1082  }
0x22: {  	[simem:s7], [sflag:s8] =	dma.local @!p0 [hbm:s6], $0xF7A  }
0x23: {  	s9 =	sor.u32 $0xD0000000, s2;
	s6 =	simm.s32 $0x108;
	_ =	swait.ge @!p0 [sflag:s8], $0x0  }
0x24: {  	s3 =	sadd.s32 $0x88, s3;
	s6 =	simm.s32 @!p1 $0x1082;
	[sflag:s4] =	ssyncset.s32 $0xFFFFF086  }
0x25: {  	[simem:s6], [sflag:s4] =	dma.local [hbm:s3], $0xF7A  }
0x26: {  	[smem:$0x3F9F] =	sst s1;
	(tag) =	ssettag s2;
	_ =	strace s9  }
0x27: {  	s1 =	sld [smem:$0x3FAF]  }
0x28: {  	s2 =	sld [smem:$0x3FB0]  }
0x29: {  	s4 =	sld [smem:$0x3FB2]  }
0x2a: {  	p0 =	seq.s32 s5, $0x0;
	s5 =	sld [smem:$0x3FB3]  }
0x2b: {  	s6 =	sld [smem:$0x3FB4]  }
0x2c: {  	s7 =	sld [smem:$0x3FB5]  }
0x2d: {  	s3 =	simm.s32 $0x108;
	s8 =	sld [smem:$0x3FB6]  }
0x2e: {  	s3 =	simm.s32 @!p0 $0x1082;
	s9 =	sld [smem:$0x3FB7]  }
0x2f: {  	lr =	sadd.s32 s0, s3;
	s0 =	sld [smem:$0x3FAE]  }
0x30: {  	s3 =	sld [smem:$0x3FB1]  }
0x31: {  	[smem:$0x3FBA] =	sst s10  }
0x32: {  	s10 =	sld [smem:$0x3FB8];
	_ =	sdelay $0x3  }
0x33: {  	p0 =	seq.s32 s10, $0x1;
	s10 =	sld [smem:$0x3FBA];
	_ =	sdelay $0x3  }
0x34: {  	[smem:$0x3FBA] =	sst s10  }
0x35: {  	s10 =	sld [smem:$0x3FB9];
	_ =	sdelay $0x3  }
0x36: {  	p1 =	seq.s32 s10, $0x1;
	s10 =	sld [smem:$0x3FBA];
	_ =	sdelay $0x3  }
0x37: {  	[smem:$0x3FBA] =	sst s10  }
0x38: {  	s10 =	sld [smem:$0x3FBB]  }
0x39: {  	_ = 	snop;
	(pc) =	sbr.ind lr, $3  }
0x3a: {  	_ = 	snop  }
0x3b: {  	_ = 	snop  }
0x3c: {  	p2 =	seq.s32 s10, $0x1;
	s10 =	sld [smem:$0x3FBA]  }
0x3d: {  	_ =	shalt  }
0x3e: {  	_ =	shalt  }
0x3f: {  	_ =	shalt  }
0x40: {  	_ =	shalt  }
0x41: {  	_ =	shalt  }
0x42: {  	_ =	shalt  }
0x43: {  	_ =	shalt  }
0x44: {  	_ =	shalt  }
0x45: {  	_ =	shalt  }
0x46: {  	_ =	shalt  }
0x47: {  	_ =	shalt  }
0x48: {  	_ =	shalt  }
0x49: {  	_ =	shalt  }
0x4a: {  	_ =	shalt  }
0x4b: {  	_ =	shalt  }
0x4c: {  	_ =	shalt  }
0x4d: {  	_ =	shalt  }
0x4e: {  	_ =	shalt  }
0x4f: {  	_ =	shalt  }
0x50: {  	_ =	shalt  }
0x51: {  	_ =	shalt  }
0x52: {  	_ =	shalt  }
0x53: {  	_ =	shalt  }
0x54: {  	_ =	shalt  }
0x55: {  	_ =	shalt  }
0x56: {  	_ =	shalt  }
0x57: {  	_ =	shalt  }
0x58: {  	_ =	shalt  }
0x59: {  	_ =	shalt  }
0x5a: {  	_ =	shalt  }
0x5b: {  	_ =	shalt  }
0x5c: {  	_ =	shalt  }
0x5d: {  	_ =	shalt  }
0x5e: {  	_ =	shalt  }
0x5f: {  	_ =	shalt  }
0x60: {  	_ =	shalt  }
0x61: {  	_ =	shalt  }
0x62: {  	_ =	shalt  }
0x63: {  	_ =	shalt  }
0x64: {  	_ =	shalt  }
0x65: {  	_ =	shalt  }
0x66: {  	_ =	shalt  }
0x67: {  	_ =	shalt  }
0x68: {  	_ =	shalt  }
0x69: {  	_ =	shalt  }
0x6a: {  	_ =	shalt  }
0x6b: {  	_ =	shalt  }
0x6c: {  	_ =	shalt  }
0x6d: {  	_ =	shalt  }
0x6e: {  	_ =	shalt  }
0x6f: {  	_ =	shalt  }
0x70: {  	_ =	shalt  }
0x71: {  	_ =	shalt  }
0x72: {  	_ =	shalt  }
0x73: {  	_ =	shalt  }
0x74: {  	_ =	shalt  }
0x75: {  	_ =	shalt  }
0x76: {  	_ =	shalt  }
0x77: {  	_ =	shalt  }
0x78: {  	_ =	shalt  }
0x79: {  	_ =	shalt  }
0x7a: {  	_ =	shalt  }
0x7b: {  	_ =	shalt  }
0x7c: {  	_ =	shalt  }
0x7d: {  	_ =	shalt  }
0x7e: {  	_ =	shalt  }
0x7f: {  	_ =	shalt  }
0x80: {  	_ =	shalt  }
0x81: {  	_ =	shalt  }
0x82: {  	_ =	shalt  }
0x83: {  	_ =	shalt  }
0x84: {  	_ =	shalt  }
0x85: {  	_ =	shalt  }
0x86: {  	_ =	shalt  }
0x87: {  	_ =	shalt  }
.Lfunc_end0:
.L_simem_size_0:
called_computation_lowered:
.L_overlay_start_0:
0x88: {  	s2 =	sld [smem:$0x3FD9]  }
0x89: {  	s3 =	sld [smem:$0x3FFE];
	_ =	sdelay $0x1  }
0x8a: {  	s1 =	srdreg.scid  }
0x8b: {  	s0 =	sand.u32 $0x1, s1  }
0x8c: {  	s17 =	sshll.u32 s0, $0xA;
	s2 =	sadd.s32 s3, s2  }
0x8d: {  	s2 =	sadd.s32 s2, s17  }
0x8e: {  	[smem:$0x3FC6] =	sst s2  }
0x8f: {  	_ = 	snop  }
0x90: {  	s2 =	sld [smem:$0x3FC8];
	(tm) =	ssettm $0x1  }
0x91: {  	s18 =	sld [smem:$0x3FFB];
	_ =	sdelay $0x3  }
0x92: {  	_ =	strace s18  }
0x93: {  	s3 =	sld [smem:$0x3FFC];
	_ =	sdelay $0x3  }
0x94: {  	_ =	strace s3  }
0x95: {  	s3 =	sld [smem:$0x3FFD];
	_ =	sdelay $0x3  }
0x96: {  	_ =	strace s3  }
0x97: {  	_ =	strace $0x8FFFFFFF  }
0x98: {  	s19 =	sld [smem:$0x3FDB];
	_ =	sdelay $0x1  }
0x99: {  	s4 =	simm.s32 $_scs_section_size  }
0x9a: {  	s5 =	simm.s32 $_size__tile_overlayer_lowered;
	s6 =	simm.s32 $_tile_overlayer_lowered  }
0x9b: {  	s22 =	simm.s32 $0x1BFF;
	s21 =	sshll.u32 s6, $0x1;
	s3 =	sadd.s32 s4, s19  }
0x9c: {  	s7 =	simm.s32 $0x0;
	s20 =	sshll.u32 s5, $0x1;
	s5 =	sadd.s32 s21, s3  }
0x9d: {  	[timem:s7], [sflag:s22] =	dma.local [hbm:s5], s20  }
0x9e: {  	_ =	swait.ge [sflag:s22], s20  }
0x9f: {  	s4 =	ssub.s32 $0x0, s20;
	[sflag:s22] =	ssyncset.done $0x0  }
0xa0: {  	[sflag:s22] =	ssyncadd.s32 s4;
	_ =	sdelay $0x1  }
0xa1: {  	s23 =	simm.s32 $0x1B8B  }
0xa2: {  	_ =	swait.ge [sflag:s23], $0x1  }
0xa3: {  	[sflag:s23] =	ssyncset.done $0x0  }
0xa4: {  	s25 =	simm.s32 $0x1B8E;
	s24 =	sld [smem:$0x3FFE];
	[sflag:s23] =	ssyncadd.s32 $0xFFFFFFFF  }
0xa5: {  	s26 =	simm.s32 $execute0_lowered;
	[smem:$0x3FD2] =	sst s25  }
0xa6: {  	s5 =	sshll.u32 s26, $0x1;
	_ =	strace $0x80000046;
	[dreg:$0x1] =	wrdreg $0xFFFFFFFF  }
0xa7: {  	s28 =	simm.s32 $_size_execute0_lowered;
	s3 =	sadd.s32 s3, s5;
	[dreg:$0x0] =	wrdreg $0x0  }
0xa8: {  	s5 =	sshll.u32 s28, $0x1;
	[dreg:$0x2] =	wrdreg s3  }
0xa9: {  	[dreg:$0x3] =	wrdreg s5  }
0xaa: {  	[dreg:$0x4] =	wrdreg $0xC0  }
0xab: {  	_ =	task [dreg:s7], $0x5FFFF  }
0xac: {  	[dreg:$0x1] =	wrdreg $0xFFFFFFFF  }
0xad: {  	[dreg:$0x0] =	wrdreg $0x60  }
0xae: {  	[dreg:$0x2] =	wrdreg s2  }
0xaf: {  	[dreg:$0x3] =	wrdreg s24  }
0xb0: {  	[dreg:$0x4] =	wrdreg $0x9  }
0xb1: {  	_ =	task.clear_ibuf [dreg:s7], $0x5FFFF;
	_ =	strace $0x90000046  }
0xb2: {  	s29 =	simm.s32 $0x9;
	_ =	strace $0x80000048  }
0xb3: {  	_ =	swait.ge [sflag:s29], $0x1  }
0xb4: {  	[sflag:s29] =	ssyncadd.s32 $0xFFFFFFFF  }
0xb5: {  	_ =	strace $0x90000048  }
0xb6: {  	_ =	sfence  }
0xb7: {  	s30 =	sld [smem:$0x0];
	_ =	sdelay $0x2  }
0xb8: {  	s31 =	sshll.u32 s1, $0xD;
	s1 =	sshrl.u32 s1, $0x2  }
0xb9: {  	s3 =	sand.u32 $0x4000, s31;
	s1 =	sadd.s32 s1, s30  }
0xba: {  	s0 =	sor.u32 s3, s0;
	s1 =	sshll.u32 s1, $0x11  }
0xbb: {  	s0 =	sor.u32 s1, s0  }
0xbc: {  	s0 =	sadd.s32 $0x8F2B, s0  }
0xbd: {  	[sflag:s0] =	ssyncadd.remote.s32 $0x1  }
0xbe: {  	_ =	sfence.sel $0xFFFF  }
0xbf: {  	[dreg:$0x0] =	wrdreg $0xFFFFFFFF;
	(pc) =	sbr.abs _section_cstart, $3  }
0xc0: {  	[dreg:$0x1] =	wrdreg $0xFFFFFFFF  }
0xc1: {  	_ =	task.clear_ibuf [dreg:s7], $0x2FFFF;
	_ =	strace $0x9FFFFFFF  }
0xc2: {  	(tm) =	ssettm $0x7FFFFFFF  }
0xc3: {  	_ =	shalt  }
tec
execute0_lowered:
.L_overlay_start_1:
0x0: {  	(tag) =	ssettag $0x1  }
0x1: {  	s5 =	rddreg [dreg:$0x0]  }
0x2: {  	s2 =	rddreg [dreg:$0x1]  }
0x3: {  	s0 =	rddreg [dreg:$0x2]  }
0x4: {  	s1 =	simm.s32 $0x0;
	s3 =	srdreg.scid;
	s8 =	simm.s32 $0x10000  }
0x5: {  	s9 =	simm.s32 $0x0;
	[smem:$0x7FF] =	sst s1;
	s4 =	sand.u32 $0x1, s3  }
0x6: {  	s3 =	sadd.s32 $0x600, s2;
	s2 =	stileid.u32;
	s6 =	ssub.s32 $0x2, s4  }
0x7: {  	s5 =	sadd.s32 $0x600000, s5;
	_ =	strace $0x80000047;
	s7 =	sshrl.u32 s6, $0x1  }
0x8: {  	s31 =	sshll.u32 s2, $0x7;
	s4 =	sshll.u32 s4, $0x6;
	s6 =	ssub.s32 s6, s7  }
0x9: {  	s4 =	sor.u32 s4, s31;
	s7 =	simm.s32 $0x1;
	s6 =	smax.u32 s6, $0x1  }
.LBB2_1:
0xa: {  	s10 =	simm.s32 $0x0  }
.LBB2_2:
0xb: {  	s11 =	sshll.u32 s10, $0x3  }
0xc: {  	s11 =	sadd.s32 s4, s11  }
0xd: {  	s12 =	sshll.u32 s11, $0xA  }
0xe: {  	s13 =	simm.s32 $0x0;
	s12 =	sadd.s32 s12, s5  }
0xf: {  	[tilespmem:s13], [sflag:$0x1] =	stream.linear.gather [hbm4b:s12+s13], $0x10000, $0x38;
	[tilespmem:$0x14000] =	vst v63  }
0x10: {  	s14 =	simm.s32 $0x0;
	s30 =	sand.u32 $0x780, s13;
	_ =	swait.ge [sflag:s7], $0x10000  }
0x11: {  	s15 =	sand.u32 $0x380, s14;
	s12 =	sshll.u32 s30, $0x3;
	[sflag:s7] =	ssyncset.done $0x0  }
0x12: {  	s16 =	sor.u32 s15, s12;
	[sflag:s7] =	ssyncadd.s32 $0xFFFF0000  }
0x13: {  	v0 =	vld [tilespmem:s16+$0x4000]  }
0x14: {  	v1 =	vld [tilespmem:s16+$0x0]  }
0x15: {  	v2 =	vld [tilespmem:s16+$0x8000]  }
0x16: {  	v3 =	vld [tilespmem:s16+$0xC000];
	_ =	sdelay $0x2  }
0x17: {  	v0 =	vshll.u32 v0, $0x8  }
0x18: {  	v0 =	vor.u32 v1, v0;
	v1 =	vshll.u32 v2, $0x10  }
0x19: {  	v0 =	vor.u32 v1, v0;
	v1 =	vshll.u32 v3, $0x18  }
0x1a: {  	s31 =	sand.u32 $0x3C00, s13;
	v0 =	vor.u32 v1, v0  }
0x1b: {  	s12 =	sor.u32 s15, s31;
	[tilespmem:s16+$0x10000] =	vst v0  }
0x1c: {  	v1 =	vld [tilespmem:s12+$0xC030]  }
0x1d: {  	v4 =	vld [tilespmem:s12+$0x4020]  }
0x1e: {  	v2 =	vld [tilespmem:s12+$0xC020]  }
0x1f: {  	v3 =	vld [tilespmem:s12+$0x8020]  }
0x20: {  	s15 =	simm.s32 $0x0;
	v0 =	vld [tilespmem:s12+$0xC050]  }
.LBB2_3:
0x21: {  	s14 =	sadd.s32 $0x8, s14;
	v5 =	vld [tilespmem:s12+$0x20];
	s13 =	sadd.s32 $0x80, s13;
	s15 =	sadd.s32 $0x400, s15  }
0x22: {  	p0 =	slt.u32 s14, $0x3F8;
	v4 =	vshll.u32 v4, $0x8;
	v6 =	vld [tilespmem:s12+$0x60]  }
0x23: {  	v7 =	vld [tilespmem:s12+$0xC070]  }
0x24: {  	v8 =	vld [tilespmem:s12+$0x8050]  }
0x25: {  	v9 =	vld [tilespmem:s12+$0xC040]  }
0x26: {  	v3 =	vshll.u32 v3, $0x10;
	v4 =	vor.u32 v5, v4;
	v5 =	vld [tilespmem:s12+$0x30]  }
0x27: {  	v2 =	vshll.u32 v2, $0x18;
	v3 =	vor.u32 v3, v4;
	v4 =	vld [tilespmem:s12+$0x50]  }
0x28: {  	v2 =	vor.u32 v2, v3;
	v3 =	vld [tilespmem:s12+$0x40]  }
0x29: {  	[tilespmem:s12+$0x10020] =	vst v2;
	v2 =	vld [tilespmem:s12+$0x8070]  }
0x2a: {  	v10 =	vld [tilespmem:s12+$0x4070]  }
0x2b: {  	v1 =	vshll.u32 v1, $0x18;
	v11 =	vld [tilespmem:s12+$0x70]  }
0x2c: {  	v8 =	vshll.u32 v8, $0x10;
	v12 =	vld [tilespmem:s12+$0x4050]  }
0x2d: {  	v9 =	vshll.u32 v9, $0x18;
	v13 =	vld [tilespmem:s12+$0x8040]  }
0x2e: {  	v14 =	vld [tilespmem:s12+$0x8060]  }
0x2f: {  	v15 =	vld [tilespmem:s12+$0x4060];
	v10 =	vshll.u32 v10, $0x8  }
0x30: {  	v2 =	vshll.u32 v2, $0x10;
	v16 =	vld [tilespmem:s12+$0x4040];
	v10 =	vor.u32 v11, v10  }
0x31: {  	v7 =	vshll.u32 v7, $0x18;
	v11 =	vshll.u32 v12, $0x8;
	v12 =	vld [tilespmem:s12+$0xC060];
	v2 =	vor.u32 v2, v10  }
0x32: {  	v10 =	vld [tilespmem:s12+$0x4030];
	v4 =	vor.u32 v4, v11;
	v2 =	vor.u32 v7, v2  }
0x33: {  	v0 =	vshll.u32 v0, $0x18;
	v7 =	vld [tilespmem:s12+$0x8030];
	v4 =	vor.u32 v8, v4;
	v8 =	vshll.u32 v14, $0x10;
	[tilespmem:s12+$0x10070] =	vst v2  }
0x34: {  	v2 =	vld [tilespmem:s12+$0x4010];
	v0 =	vor.u32 v0, v4;
	v4 =	vshll.u32 v15, $0x8  }
0x35: {  	v13 =	vshll.u32 v13, $0x10;
	v11 =	vld [tilespmem:s12+$0x10];
	v14 =	vshll.u32 v16, $0x8;
	[tilespmem:s12+$0x10050] =	vst v0;
	v0 =	vor.u32 v6, v4  }
0x36: {  	v4 =	vld [tilespmem:s12+$0x8010];
	v3 =	vor.u32 v3, v14;
	v0 =	vor.u32 v8, v0;
	v6 =	vshll.u32 v12, $0x18  }
0x37: {  	v8 =	vld [tilespmem:s12+$0xC010];
	v10 =	vshll.u32 v10, $0x8;
	v3 =	vor.u32 v13, v3;
	v0 =	vor.u32 v6, v0  }
0x38: {  	v5 =	vor.u32 v5, v10;
	v6 =	vshll.u32 v7, $0x10;
	v3 =	vor.u32 v9, v3;
	[tilespmem:s12+$0x10060] =	vst v0  }
0x39: {  	s16 =	sand.u32 $0x780, s13;
	v0 =	vor.u32 v6, v5;
	[tilespmem:s12+$0x10040] =	vst v3  }
0x3a: {  	s17 =	sand.u32 $0x380, s14;
	s16 =	sshll.u32 s16, $0x3;
	v2 =	vshll.u32 v2, $0x8;
	v0 =	vor.u32 v1, v0  }
0x3b: {  	s16 =	sor.u32 s17, s16;
	v1 =	vor.u32 v11, v2;
	v2 =	vshll.u32 v4, $0x10;
	[tilespmem:s12+$0x10030] =	vst v0  }
0x3c: {  	v0 =	vor.u32 v2, v1;
	v1 =	vshll.u32 v8, $0x18  }
0x3d: {  	v0 =	vor.u32 v1, v0  }
0x3e: {  	[tilespmem:s12+$0x10010] =	vst v0  }
0x3f: {  	v0 =	vld [tilespmem:s16+$0x4000]  }
0x40: {  	v1 =	vld [tilespmem:s16+$0x0]  }
0x41: {  	v2 =	vld [tilespmem:s16+$0x8000]  }
0x42: {  	v3 =	vld [tilespmem:s16+$0xC000];
	_ =	sdelay $0x2  }
0x43: {  	v0 =	vshll.u32 v0, $0x8  }
0x44: {  	s12 =	sand.u32 $0x3C00, s15;
	v0 =	vor.u32 v1, v0;
	v1 =	vshll.u32 v2, $0x10  }
0x45: {  	s12 =	sor.u32 s17, s12;
	v0 =	vor.u32 v1, v0;
	v1 =	vshll.u32 v3, $0x18  }
0x46: {  	v0 =	vor.u32 v1, v0  }
0x47: {  	[tilespmem:s16+$0x10000] =	vst v0  }
.Ltmp0:
0x48: {  	v1 =	vld [tilespmem:s12+$0xC030];
	(pc) =	sbr.rel @p0 .LBB2_3-.Ltmp0, $4  }
0x49: {  	v4 =	vld [tilespmem:s12+$0x4020]  }
0x4a: {  	v2 =	vld [tilespmem:s12+$0xC020]  }
0x4b: {  	v3 =	vld [tilespmem:s12+$0x8020]  }
0x4c: {  	v0 =	vld [tilespmem:s12+$0xC050]  }
0x4d: {  	v5 =	vld [tilespmem:s12+$0x20]  }
0x4e: {  	v6 =	vld [tilespmem:s12+$0x60]  }
0x4f: {  	v7 =	vld [tilespmem:s12+$0xC070]  }
0x50: {  	v8 =	vld [tilespmem:s12+$0x8050]  }
0x51: {  	v9 =	vld [tilespmem:s12+$0xC040]  }
0x52: {  	v42 =	vld [tilespmem:s12+$0x50]  }
0x53: {  	v10 =	vld [tilespmem:s12+$0x4070]  }
0x54: {  	v11 =	vld [tilespmem:s12+$0x70]  }
0x55: {  	v12 =	vld [tilespmem:s12+$0x4050]  }
0x56: {  	v13 =	vld [tilespmem:s12+$0x8040]  }
0x57: {  	v14 =	vld [tilespmem:s12+$0x8060]  }
0x58: {  	v15 =	vld [tilespmem:s12+$0x4060]  }
0x59: {  	v16 =	vld [tilespmem:s12+$0x4040]  }
0x5a: {  	v45 =	vld [tilespmem:s12+$0xC060]  }
0x5b: {  	v47 =	vld [tilespmem:s12+$0x8030];
	v1 =	vshll.u32 v1, $0x18;
	v4 =	vshll.u32 v4, $0x8  }
0x5c: {  	v55 =	vld [tilespmem:s12+$0x8010];
	v2 =	vshll.u32 v2, $0x18;
	v3 =	vshll.u32 v3, $0x10;
	v0 =	vshll.u32 v0, $0x18  }
0x5d: {  	v43 =	vld [tilespmem:s12+$0x40];
	v4 =	vor.u32 v5, v4;
	v10 =	vshll.u32 v10, $0x8;
	v7 =	vshll.u32 v7, $0x18  }
0x5e: {  	v49 =	vld [tilespmem:s12+$0x4010];
	v12 =	vshll.u32 v12, $0x8;
	v8 =	vshll.u32 v8, $0x10;
	v51 =	vshll.u32 v9, $0x18  }
0x5f: {  	v44 =	vld [tilespmem:s12+$0x8070];
	v52 =	vshll.u32 v14, $0x10;
	v53 =	vshll.u32 v15, $0x8;
	v54 =	vshll.u32 v16, $0x8  }
0x60: {  	v46 =	vld [tilespmem:s12+$0x4030];
	v13 =	vshll.u32 v13, $0x10;
	v57 =	vshll.u32 v45, $0x18;
	v58 =	vshll.u32 v47, $0x10  }
0x61: {  	v41 =	vld [tilespmem:s12+$0x30];
	v60 =	vshll.u32 v55, $0x10;
	v3 =	vor.u32 v3, v4;
	v10 =	vor.u32 v11, v10  }
0x62: {  	v50 =	vld [tilespmem:s12+$0x10];
	v4 =	vor.u32 v42, v12;
	v6 =	vor.u32 v6, v53;
	v2 =	vor.u32 v2, v3  }
0x63: {  	v56 =	vld [tilespmem:s12+$0xC010];
	v48 =	vor.u32 v8, v4;
	v3 =	vor.u32 v43, v54;
	v4 =	vshll.u32 v49, $0x8  }
0x64: {  	[tilespmem:s12+$0x10020] =	vst v2;
	v2 =	vshll.u32 v44, $0x10;
	v0 =	vor.u32 v0, v48;
	v3 =	vor.u32 v13, v3  }
0x65: {  	v2 =	vor.u32 v2, v10;
	[tilespmem:s12+$0x10050] =	vst v0;
	v10 =	vshll.u32 v46, $0x8;
	v3 =	vor.u32 v51, v3  }
0x66: {  	v0 =	vor.u32 v52, v6;
	v2 =	vor.u32 v7, v2;
	v5 =	vor.u32 v41, v10;
	[tilespmem:s12+$0x10040] =	vst v3  }
0x67: {  	v0 =	vor.u32 v57, v0;
	[tilespmem:s12+$0x10070] =	vst v2;
	v59 =	vor.u32 v58, v5;
	v2 =	vor.u32 v50, v4  }
0x68: {  	s10 =	sadd.s32 $0x1, s10;
	v62 =	vshll.u32 v56, $0x18;
	[tilespmem:s12+$0x10060] =	vst v0;
	v0 =	vor.u32 v1, v59;
	v61 =	vor.u32 v60, v2  }
0x69: {  	s11 =	sshll.u32 s11, $0x8;
	p0 =	sne.s32 s10, $0x8;
	[tilespmem:s12+$0x10030] =	vst v0;
	v63 =	vor.u32 v62, v61  }
.Ltmp1:
0x6a: {  	s11 =	sadd.s32 s3, s11;
	[tilespmem:s12+$0x10010] =	vst v63;
	(pc) =	sbr.rel @p0 .LBB2_2-.Ltmp1, $4  }
0x6b: {  	[hbm4b:s11+s1] =	stream.linear.scatter [tilespmem:s8], [sflag:$0x1], $0x4000, $0x38;
	[tilespmem:$0x14000] =	vst v63  }
0x6c: {  	_ =	swait.ge [sflag:s7], $0x4000  }
0x6d: {  	[sflag:s7] =	ssyncset.done $0x0  }
0x6e: {  	[sflag:s7] =	ssyncadd.s32 $0xFFFFC000  }
0x6f: {  	s9 =	sadd.s32 $0x1, s9  }
0x70: {  	p0 =	sne.s32 s9, s6  }
.Ltmp2:
0x71: {  	_ = 	snop;
	(pc) =	sbr.rel @p0 .LBB2_1-.Ltmp2, $1  }
0x72: {  	_ =	sdelay $0x3  }
0x73: {  	_ =	sfence.sel $0x180000  }
0x74: {  	[bflag:$0x0] =	sbarrier.arrive $0xFFFF  }
0x75: {  	p0 =	sne.s32 s2, $0x0;
	_ =	strace $0x90000047  }
0x76: {  	s0 =	sadd.s32 @!p0 $0x100000, s0;
	[bflag:$0x2] =	sbarrier.arrive $0xFFFF  }
0x77: {  	[sflag:s0] =	ssyncadd.tile.s32 @!p0 $0x1;
	_ =	shalt  }
.Lfunc_end2:
_tile_overlayer_lowered:
.L_overlay_start_2:
0x78: {  	(tag) =	ssettag $0x2  }
0x79: {  	s0 =	rddreg [dreg:$0x0];
	s2 =	stileid.u32  }
0x7a: {  	s1 =	rddreg [dreg:$0x1];
	p0 =	sne.s32 s2, $0x0  }
0x7b: {  	s3 =	rddreg [dreg:$0x2];
	[bflag:$0x3] =	sbarrier.arrive $0xFFFF;
	s2 =	simm.s32 @!p0 $0x1C01  }
0x7c: {  	[timem:s3], [sflag:s2] =	dma.local @!p0 [hbm:s0], s1  }
0x7d: {  	s0 =	simm.s32 @!p0 $0x1  }
0x7e: {  	_ =	swait.ge @!p0 [sflag:s0], s1  }
0x7f: {  	s1 =	ssub.s32 @!p0 $0x0, s1;
	[sflag:s0] =	ssyncset.done @!p0 $0x0  }
0x80: {  	[sflag:s0] =	ssyncadd.s32 @!p0 s1  }
0x81: {  	[bflag:$0x3] =	sbarrier.arrive $0xFFFF  }
0x82: {  	_ =	shalt  }

</sc_bundles>
